<compile_context>
chip_gen: v7x
topology: tpu7x:2x2x1
jax: 0.10.2.dev20260603
libtpu: 0.0.44.dev20260713+nightly
codegen_flags: <defaults>
</compile_context>

<pallas_src>
import functools

import jax
import jax.numpy as jnp
from jax import lax
from jax.experimental import pallas as pl
from jax.experimental.pallas import tpu as pltpu
from jax.experimental.pallas import tpu_sc as plsc

_LANES = 16
_N_TILES = 32
_CHUNK = 2000



def _pack_rows(lo, hi):
    ulo = lax.bitcast_convert_type(lo, jnp.int32)
    uhi = lax.bitcast_convert_type(hi, jnp.int32)
    r = jnp.int32(0x8000)
    m = jnp.int32(-65536)
    return (lax.shift_right_logical(ulo + r, 16)) | ((uhi + r) & m)


def _mm0_body(x_ref, we_ref, wo_ref, be_ref, bo_ref, o_ref):
    xv = x_ref[...]
    dn = (((0,), (1,)), ((), ()))
    he = lax.dot_general(we_ref[...], xv, dimension_numbers=dn,
                         preferred_element_type=jnp.float32)
    ho = lax.dot_general(wo_ref[...], xv, dimension_numbers=dn,
                         preferred_element_type=jnp.float32)
    o_ref[...] = _pack_rows(he + be_ref[...][:, None],
                            ho + bo_ref[...][:, None])


def _mm1_body(a_ref, we_ref, wo_ref, be_ref, bo_ref, o_ref):
    h = jnp.maximum(a_ref[...], 0.0)
    dn = (((0,), (0,)), ((), ()))
    he = lax.dot_general(we_ref[...], h, dimension_numbers=dn,
                         preferred_element_type=jnp.float32)
    ho = lax.dot_general(wo_ref[...], h, dimension_numbers=dn,
                         preferred_element_type=jnp.float32)
    o_ref[...] = _pack_rows(he + be_ref[...][:, None],
                            ho + bo_ref[...][:, None])


def _lsm_body(n_cls, a_ref, o_ref):
    v = a_ref[...]
    row = lax.broadcasted_iota(jnp.int32, v.shape, 0)
    valid = row < n_cls
    vm = jnp.where(valid, v, -jnp.inf)
    m = jnp.max(vm, axis=0, keepdims=True)
    e = jnp.where(valid, jnp.exp(v - m), 0.0)
    s = jnp.sum(e, axis=0, keepdims=True)
    o_ref[...] = ((v - m) - jnp.log(s)).T[:, :n_cls]


def _mm0(x, we, wo, be, bo):
    hp, npad = we.shape[1], x.shape[0]
    return pl.pallas_call(
        _mm0_body,
        out_shape=jax.ShapeDtypeStruct((hp, npad), jnp.int32),
    )(x, we, wo, be, bo)


def _mm1(a, we, wo, be, bo):
    cp, npad = we.shape[1], a.shape[1]
    return pl.pallas_call(
        _mm1_body,
        out_shape=jax.ShapeDtypeStruct((cp, npad), jnp.int32),
    )(a, we, wo, be, bo)


def _lsm(a, n_cls):
    _, npad = a.shape
    return pl.pallas_call(
        functools.partial(_lsm_body, n_cls),
        out_shape=jax.ShapeDtypeStruct((npad, n_cls), jnp.float32),
    )(a)



def _make_agg(d_feat, npad, epad):
    f_per = d_feat // _N_TILES
    fp = f_per // 2
    c = _CHUNK
    n_pairs = epad // (2 * c)
    groups = c // _LANES

    mesh = plsc.VectorSubcoreMesh(core_axis_name="c", subcore_axis_name="s")

    @functools.partial(
        pl.kernel,
        out_type=jax.ShapeDtypeStruct((d_feat, npad), jnp.float32),
        mesh=mesh,
        compiler_params=pltpu.CompilerParams(needs_layout_passes=False),
        scratch_types=[
            pltpu.VMEM((f_per * npad,), jnp.float32),
            pltpu.VMEM((fp * npad,), jnp.int32),
            pltpu.VMEM((2 * c,), jnp.int32),
            pltpu.VMEM((2 * c,), jnp.int32),
            pltpu.VMEM((2 * c,), jnp.float32),
            pltpu.SemaphoreType.DMA,
            pltpu.SemaphoreType.DMA,
            pltpu.SemaphoreType.DMA,
        ],
    )
    def agg(hP, src, dst, nrm, out, acc, hrows, srcb, dstb, nrmb,
            sem_h, sem_e0, sem_e1):
        wid = lax.axis_index("s") * 2 + lax.axis_index("c")
        f0 = wid * f_per
        p0 = wid * fp
        sems = (sem_e0, sem_e1)

        cp_h = []
        for pc in range(fp):
            cp_h.append(pltpu.async_copy(
                hP.at[p0 + pc], hrows.at[pl.ds(pc * npad, npad)], sem_h))

        def start(g, slot):
            base = g * c
            pltpu.async_copy(src.at[pl.ds(base, c)],
                             srcb.at[pl.ds(slot * c, c)], sems[slot])
            pltpu.async_copy(dst.at[pl.ds(base, c)],
                             dstb.at[pl.ds(slot * c, c)], sems[slot])
            pltpu.async_copy(nrm.at[pl.ds(base, c)],
                             nrmb.at[pl.ds(slot * c, c)], sems[slot])

        def wait(slot):
            pltpu.make_async_copy(src.at[pl.ds(0, c)],
                                  srcb.at[pl.ds(slot * c, c)],
                                  sems[slot]).wait()
            pltpu.make_async_copy(dst.at[pl.ds(0, c)],
                                  dstb.at[pl.ds(slot * c, c)],
                                  sems[slot]).wait()
            pltpu.make_async_copy(nrm.at[pl.ds(0, c)],
                                  nrmb.at[pl.ds(slot * c, c)],
                                  sems[slot]).wait()

        def compute(slot):
            @plsc.parallel_loop(0, groups, unroll=8)
            def gbody(j):
                off = slot * c + j * _LANES
                s16 = srcb[pl.ds(off, _LANES)]
                d16 = dstb[pl.ds(off, _LANES)]
                n16 = nrmb[pl.ds(off, _LANES)]
                mhi = jnp.full((_LANES,), -65536, jnp.int32)
                for pc in range(fp):
                    w = plsc.load_gather(hrows, [s16 + pc * npad])
                    lo = plsc.bitcast(w << 16, jnp.float32)
                    hi = plsc.bitcast(w & mhi, jnp.float32)
                    plsc.addupdate_scatter(
                        acc, [d16 + (2 * pc) * npad], lo * n16)
                    plsc.addupdate_scatter(
                        acc, [d16 + (2 * pc + 1) * npad], hi * n16)

        start(0, 0)

        zeros = jnp.zeros((_LANES,), jnp.float32)

        @plsc.parallel_loop(0, (f_per * npad) // _LANES, unroll=8)
        def zbody(i):
            acc[pl.ds(i * _LANES, _LANES)] = zeros

        for cp in cp_h:
            cp.wait()

        def pair(gp, carry):
            start(2 * gp + 1, 1)
            wait(0)
            compute(0)

            @pl.when(gp + 1 < n_pairs)
            def _():
                start(2 * gp + 2, 0)

            wait(1)
            compute(1)
            return carry

        lax.fori_loop(0, n_pairs, pair, 0)

        for fc in range(f_per):
            pltpu.sync_copy(acc.at[pl.ds(fc * npad, npad)], out.at[f0 + fc])

    return agg



def kernel(x, edge_index, norm, W0, b0, W1, b1):
    n, _ = x.shape
    e = edge_index.shape[1]
    hid = W0.shape[1]
    n_cls = W1.shape[1]

    npad = -(-n // 128) * 128
    epad = -(-e // (2 * _CHUNK)) * (2 * _CHUNK)
    cpad = -(-n_cls // (2 * _N_TILES)) * (2 * _N_TILES)

    if npad == n:
        xp = x.astype(jnp.float32)
    else:
        xp = jnp.zeros((npad, x.shape[1]), jnp.float32).at[:n].set(x)
    ei = edge_index.astype(jnp.int32)
    if epad == e:
        src, dst, nrm = ei[0], ei[1], norm.astype(jnp.float32)
    else:
        src = jnp.zeros((epad,), jnp.int32).at[:e].set(ei[0])
        dst = jnp.zeros((epad,), jnp.int32).at[:e].set(ei[1])
        nrm = jnp.zeros((epad,), jnp.float32).at[:e].set(norm)
    w1p = jnp.zeros((hid, cpad), jnp.float32).at[:, :n_cls].set(W1)
    b1p = jnp.zeros((cpad,), jnp.float32).at[:n_cls].set(b1)

    h0P = _mm0(xp, W0[:, 0::2], W0[:, 1::2], b0[0::2], b0[1::2])
    a0T = _make_agg(hid, npad, epad)(h0P, src, dst, nrm)
    h1P = _mm1(a0T, w1p[:, 0::2], w1p[:, 1::2], b1p[0::2], b1p[1::2])
    a1T = _make_agg(cpad, npad, epad)(h1P, src, dst, nrm)
    outp = _lsm(a1T, n_cls)
    return outp[:n] if npad != n else outp

# --- scband reference (transcript-rebuilt; emitter-appended) ---
"""Pipeline reference for scband-gcn-31301721653926 (READ-ONLY COPY).

The authoritative reference and input builder live on the scoring server;
editing this copy changes nothing except your own understanding.
"""

import jax, jax.numpy as jnp
import numpy as np

N_NODES = 10000
N_EDGES = 320000
F_IN = 128
HID = 128
N_CLS = 40

def setup_inputs(seed: int = 0) -> dict:
    key = jax.random.key(seed)
    k_x, k_ei, k_nm, k_w0, k_b0, k_w1, k_b1 = jax.random.split(key, 7)
    x = jax.random.normal(k_x, (N_NODES, F_IN), dtype=jnp.float32)
    edge_index = jax.random.randint(k_ei, (2, N_EDGES), 0, N_NODES, dtype=jnp.int64)
    norm = jax.random.uniform(k_nm, (N_EDGES,), dtype=jnp.float32)
    W0 = jax.random.normal(k_w0, (F_IN, HID), dtype=jnp.float32) * 0.05
    b0 = jnp.zeros((HID,), dtype=jnp.float32)
    W1 = jax.random.normal(k_w1, (HID, N_CLS), dtype=jnp.float32) * 0.05
    b1 = jnp.zeros((N_CLS,), dtype=jnp.float32)
    return {"x": x, "edge_index": edge_index, "norm": norm, "W0": W0, "b0": b0, "W1": W1, "b1": b1}

def _gcn_conv(x, edge_index, norm, W, b, num_nodes):
    # GCNConv: linear transform then normalized scatter-add aggregation
    h = x @ W + b
    src = edge_index[0]
    dst = edge_index[1]
    msgs = norm[:, None] * jnp.take(h, src, axis=0)
    out = jax.ops.segment_sum(msgs, dst, num_segments=num_nodes)
    return out

def reference(x, edge_index, norm, W0, b0, W1, b1):
    # layer 0
    h = _gcn_conv(x, edge_index, norm, W0, b0, N_NODES)
    h = jax.nn.relu(h)
    # dropout is identity in eval mode
    # layer 1 (final)
    h = _gcn_conv(h, edge_index, norm, W1, b1, N_NODES)
    return jax.nn.log_softmax(h, axis=-1)

if __name__ == "__main__":
    import jax
    _d = setup_inputs()
    print(jax.jit(kernel)(*tuple(_d.values())))

</pallas_src>

<mosaic_0001>
#map = affine_map<(d0, d1) -> (0, 0)>
#map1 = affine_map<(d0, d1) -> (0)>
module attributes {stable_mosaic.version = 14 : i64} {
  func.func @agg(%arg0: i32, %arg1: i32, %arg2: memref<64x10112xi32, #tpu.memory_space<hbm>>, %arg3: memref<320000xi32, #tpu.memory_space<hbm>>, %arg4: memref<320000xi32, #tpu.memory_space<hbm>>, %arg5: memref<320000xf32, #tpu.memory_space<hbm>>, %arg6: memref<128x10112xf32, #tpu.memory_space<hbm>>, %arg7: memref<40448xf32, #tpu.memory_space<vmem>>, %arg8: memref<20224xi32, #tpu.memory_space<vmem>>, %arg9: memref<4000xi32, #tpu.memory_space<vmem>>, %arg10: memref<4000xi32, #tpu.memory_space<vmem>>, %arg11: memref<4000xf32, #tpu.memory_space<vmem>>, %arg12: memref<!tpu.dma_semaphore, #tpu.memory_space<semaphore_mem>>, %arg13: memref<!tpu.dma_semaphore, #tpu.memory_space<semaphore_mem>>, %arg14: memref<!tpu.dma_semaphore, #tpu.memory_space<semaphore_mem>>) attributes {dimension_semantics = [#tpu.dimension_semantics<core_parallel>, #tpu.dimension_semantics<subcore_parallel>], iteration_bounds = array<i64: 2, 16>, scalar_prefetch = 0 : i64, scratch_operands = 8 : i64, tpu.core_type = #tpu.core_type<sc_vector_subcore>, window_params = [{transform_indices = #map}, {transform_indices = #map1}, {transform_indices = #map1}, {transform_indices = #map1}, {transform_indices = #map}]} {
    %mul3A = arith.constant 2 : i32
    %mul3A_0 = arith.muli %arg1, %mul3A : i32
    %add3A = arith.addi %mul3A_0, %arg0 : i32
    %mul3A_1 = arith.constant 4 : i32
    %mul3A_2 = arith.muli %add3A, %mul3A_1 : i32
    %mul3A_3 = arith.constant 2 : i32
    %mul3A_4 = arith.muli %add3A, %mul3A_3 : i32
    %add3A_5 = arith.constant 0 : i32
    %add3A_6 = arith.addi %mul3A_4, %add3A_5 : i32
    %dma_start3A = arith.constant 0 : i32
    %dma_start3A_7 = tpu.memref_slice %arg8[%dma_start3A] : memref<20224xi32, #tpu.memory_space<vmem>> -> memref<10112xi32, #tpu.memory_space<vmem>>
    %dma_start3A_8 = arith.constant 0 : i32
    %dma_start3A_9 = tpu.memref_slice %arg2[%add3A_6, %dma_start3A_8] : memref<64x10112xi32, #tpu.memory_space<hbm>> -> memref<1x10112xi32, #tpu.memory_space<hbm>>
    %dma_start3A_10 = tpu.memref_squeeze %dma_start3A_9 : memref<1x10112xi32, #tpu.memory_space<hbm>> -> memref<10112xi32, #tpu.memory_space<hbm>>
    %dma_start3A_11 = arith.constant 0 : i32
    %dma_start3A_12 = tpu.memref_slice %arg8[%dma_start3A_11] : memref<20224xi32, #tpu.memory_space<vmem>> -> memref<10112xi32, #tpu.memory_space<vmem>>
    %dma_start3A_13 = arith.constant 0 : i32
    %dma_start3A_14 = tpu.memref_slice %arg2[%add3A_6, %dma_start3A_13] : memref<64x10112xi32, #tpu.memory_space<hbm>> -> memref<1x10112xi32, #tpu.memory_space<hbm>>
    %dma_start3A_15 = tpu.memref_squeeze %dma_start3A_14 : memref<1x10112xi32, #tpu.memory_space<hbm>> -> memref<10112xi32, #tpu.memory_space<hbm>>
    tpu.enqueue_dma source(%dma_start3A_15 : memref<10112xi32, #tpu.memory_space<hbm>>) target(%dma_start3A_12 : memref<10112xi32, #tpu.memory_space<vmem>>) target_semaphore(%arg12 : memref<!tpu.dma_semaphore, #tpu.memory_space<semaphore_mem>>)
    %add3A_16 = arith.constant 1 : i32
    %add3A_17 = arith.addi %mul3A_4, %add3A_16 : i32
    %dma_start3A_18 = arith.constant 10112 : i32
    %dma_start3A_19 = tpu.memref_slice %arg8[%dma_start3A_18] : memref<20224xi32, #tpu.memory_space<vmem>> -> memref<10112xi32, #tpu.memory_space<vmem>>
    %dma_start3A_20 = arith.constant 0 : i32
    %dma_start3A_21 = tpu.memref_slice %arg2[%add3A_17, %dma_start3A_20] : memref<64x10112xi32, #tpu.memory_space<hbm>> -> memref<1x10112xi32, #tpu.memory_space<hbm>>
    %dma_start3A_22 = tpu.memref_squeeze %dma_start3A_21 : memref<1x10112xi32, #tpu.memory_space<hbm>> -> memref<10112xi32, #tpu.memory_space<hbm>>
    %dma_start3A_23 = arith.constant 10112 : i32
    %dma_start3A_24 = tpu.memref_slice %arg8[%dma_start3A_23] : memref<20224xi32, #tpu.memory_space<vmem>> -> memref<10112xi32, #tpu.memory_space<vmem>>
    %dma_start3A_25 = arith.constant 0 : i32
    %dma_start3A_26 = tpu.memref_slice %arg2[%add3A_17, %dma_start3A_25] : memref<64x10112xi32, #tpu.memory_space<hbm>> -> memref<1x10112xi32, #tpu.memory_space<hbm>>
    %dma_start3A_27 = tpu.memref_squeeze %dma_start3A_26 : memref<1x10112xi32, #tpu.memory_space<hbm>> -> memref<10112xi32, #tpu.memory_space<hbm>>
    tpu.enqueue_dma source(%dma_start3A_27 : memref<10112xi32, #tpu.memory_space<hbm>>) target(%dma_start3A_24 : memref<10112xi32, #tpu.memory_space<vmem>>) target_semaphore(%arg12 : memref<!tpu.dma_semaphore, #tpu.memory_space<semaphore_mem>>)
    %dma_start3A_28 = arith.constant 0 : i32
    %dma_start3A_29 = tpu.memref_slice %arg9[%dma_start3A_28] : memref<4000xi32, #tpu.memory_space<vmem>> -> memref<2000xi32, #tpu.memory_space<vmem>>
    %dma_start3A_30 = arith.constant 0 : i32
    %dma_start3A_31 = tpu.memref_slice %arg3[%dma_start3A_30] : memref<320000xi32, #tpu.memory_space<hbm>> -> memref<2000xi32, #tpu.memory_space<hbm>>
    %dma_start3A_32 = arith.constant 0 : i32
    %dma_start3A_33 = tpu.memref_slice %arg9[%dma_start3A_32] : memref<4000xi32, #tpu.memory_space<vmem>> -> memref<2000xi32, #tpu.memory_space<vmem>>
    %dma_start3A_34 = arith.constant 0 : i32
    %dma_start3A_35 = tpu.memref_slice %arg3[%dma_start3A_34] : memref<320000xi32, #tpu.memory_space<hbm>> -> memref<2000xi32, #tpu.memory_space<hbm>>
    tpu.enqueue_dma source(%dma_start3A_35 : memref<2000xi32, #tpu.memory_space<hbm>>) target(%dma_start3A_33 : memref<2000xi32, #tpu.memory_space<vmem>>) target_semaphore(%arg13 : memref<!tpu.dma_semaphore, #tpu.memory_space<semaphore_mem>>)
    %dma_start3A_36 = arith.constant 0 : i32
    %dma_start3A_37 = tpu.memref_slice %arg10[%dma_start3A_36] : memref<4000xi32, #tpu.memory_space<vmem>> -> memref<2000xi32, #tpu.memory_space<vmem>>
    %dma_start3A_38 = arith.constant 0 : i32
    %dma_start3A_39 = tpu.memref_slice %arg4[%dma_start3A_38] : memref<320000xi32, #tpu.memory_space<hbm>> -> memref<2000xi32, #tpu.memory_space<hbm>>
    %dma_start3A_40 = arith.constant 0 : i32
    %dma_start3A_41 = tpu.memref_slice %arg10[%dma_start3A_40] : memref<4000xi32, #tpu.memory_space<vmem>> -> memref<2000xi32, #tpu.memory_space<vmem>>
    %dma_start3A_42 = arith.constant 0 : i32
    %dma_start3A_43 = tpu.memref_slice %arg4[%dma_start3A_42] : memref<320000xi32, #tpu.memory_space<hbm>> -> memref<2000xi32, #tpu.memory_space<hbm>>
    tpu.enqueue_dma source(%dma_start3A_43 : memref<2000xi32, #tpu.memory_space<hbm>>) target(%dma_start3A_41 : memref<2000xi32, #tpu.memory_space<vmem>>) target_semaphore(%arg13 : memref<!tpu.dma_semaphore, #tpu.memory_space<semaphore_mem>>)
    %dma_start3A_44 = arith.constant 0 : i32
    %dma_start3A_45 = tpu.memref_slice %arg11[%dma_start3A_44] : memref<4000xf32, #tpu.memory_space<vmem>> -> memref<2000xf32, #tpu.memory_space<vmem>>
    %dma_start3A_46 = arith.constant 0 : i32
    %dma_start3A_47 = tpu.memref_slice %arg5[%dma_start3A_46] : memref<320000xf32, #tpu.memory_space<hbm>> -> memref<2000xf32, #tpu.memory_space<hbm>>
    %dma_start3A_48 = arith.constant 0 : i32
    %dma_start3A_49 = tpu.memref_slice %arg11[%dma_start3A_48] : memref<4000xf32, #tpu.memory_space<vmem>> -> memref<2000xf32, #tpu.memory_space<vmem>>
    %dma_start3A_50 = arith.constant 0 : i32
    %dma_start3A_51 = tpu.memref_slice %arg5[%dma_start3A_50] : memref<320000xf32, #tpu.memory_space<hbm>> -> memref<2000xf32, #tpu.memory_space<hbm>>
    tpu.enqueue_dma source(%dma_start3A_51 : memref<2000xf32, #tpu.memory_space<hbm>>) target(%dma_start3A_49 : memref<2000xf32, #tpu.memory_space<vmem>>) target_semaphore(%arg13 : memref<!tpu.dma_semaphore, #tpu.memory_space<semaphore_mem>>)
    %broadcast_in_dim3A = arith.constant 0.000000e+00 : f32
    %broadcast_in_dim3A_52 = vector.broadcast %broadcast_in_dim3A : f32 to vector<16xf32>
    %parallel_loop3A = arith.constant 0 : i32
    %parallel_loop3A_53 = arith.constant 2528 : i32
    %parallel_loop3A_54 = arith.constant 1 : i32
    scf.for %parallel_loop3A_87 = %parallel_loop3A to %parallel_loop3A_53 step %parallel_loop3A_54  : i32 {
      %parallel_loop3A_88 = arith.constant 16 : i32
      %parallel_loop3A_89 = arith.muli %parallel_loop3A_87, %parallel_loop3A_88 : i32
      %parallel_loop3A_90 = arith.index_cast %parallel_loop3A_89 : i32 to index
      %parallel_loop3A_91 = tpu.vector_load %arg7[%parallel_loop3A_90] {strides = array<i32>} : memref<40448xf32, #tpu.memory_space<vmem>>, vector<16xf32>,
      tpu.vector_store %arg7[%parallel_loop3A_90], %broadcast_in_dim3A_52 {strides = array<i32>} : memref<40448xf32, #tpu.memory_space<vmem>>, vector<16xf32>,
    } {sc.loop_unroll_factor = 8 : i64, sc.parallel_access}
    %dma_wait3A = arith.constant 0 : i32
    %dma_wait3A_55 = tpu.memref_slice %arg8[%dma_wait3A] : memref<20224xi32, #tpu.memory_space<vmem>> -> memref<10112xi32, #tpu.memory_space<vmem>>
    %dma_wait3A_56 = arith.constant 0 : i32
    %dma_wait3A_57 = tpu.memref_slice %arg2[%add3A_6, %dma_wait3A_56] : memref<64x10112xi32, #tpu.memory_space<hbm>> -> memref<1x10112xi32, #tpu.memory_space<hbm>>
    %dma_wait3A_58 = tpu.memref_squeeze %dma_wait3A_57 : memref<1x10112xi32, #tpu.memory_space<hbm>> -> memref<10112xi32, #tpu.memory_space<hbm>>
    %dma_wait3A_59 = arith.constant 0 : i32
    %dma_wait3A_60 = tpu.memref_slice %arg8[%dma_wait3A_59] : memref<20224xi32, #tpu.memory_space<vmem>> -> memref<10112xi32, #tpu.memory_space<vmem>>
    %dma_wait3A_61 = arith.constant 0 : i32
    %dma_wait3A_62 = tpu.memref_slice %arg2[%add3A_6, %dma_wait3A_61] : memref<64x10112xi32, #tpu.memory_space<hbm>> -> memref<1x10112xi32, #tpu.memory_space<hbm>>
    %dma_wait3A_63 = tpu.memref_squeeze %dma_wait3A_62 : memref<1x10112xi32, #tpu.memory_space<hbm>> -> memref<10112xi32, #tpu.memory_space<hbm>>
    tpu.wait_dma2 semaphore(%arg12 : memref<!tpu.dma_semaphore, #tpu.memory_space<semaphore_mem>>) src(%dma_wait3A_63 : memref<10112xi32, #tpu.memory_space<hbm>>) dst(%dma_wait3A_60 : memref<10112xi32, #tpu.memory_space<vmem>>)
    %dma_wait3A_64 = arith.constant 10112 : i32
    %dma_wait3A_65 = tpu.memref_slice %arg8[%dma_wait3A_64] : memref<20224xi32, #tpu.memory_space<vmem>> -> memref<10112xi32, #tpu.memory_space<vmem>>
    %dma_wait3A_66 = arith.constant 0 : i32
    %dma_wait3A_67 = tpu.memref_slice %arg2[%add3A_17, %dma_wait3A_66] : memref<64x10112xi32, #tpu.memory_space<hbm>> -> memref<1x10112xi32, #tpu.memory_space<hbm>>
    %dma_wait3A_68 = tpu.memref_squeeze %dma_wait3A_67 : memref<1x10112xi32, #tpu.memory_space<hbm>> -> memref<10112xi32, #tpu.memory_space<hbm>>
    %dma_wait3A_69 = arith.constant 10112 : i32
    %dma_wait3A_70 = tpu.memref_slice %arg8[%dma_wait3A_69] : memref<20224xi32, #tpu.memory_space<vmem>> -> memref<10112xi32, #tpu.memory_space<vmem>>
    %dma_wait3A_71 = arith.constant 0 : i32
    %dma_wait3A_72 = tpu.memref_slice %arg2[%add3A_17, %dma_wait3A_71] : memref<64x10112xi32, #tpu.memory_space<hbm>> -> memref<1x10112xi32, #tpu.memory_space<hbm>>
    %dma_wait3A_73 = tpu.memref_squeeze %dma_wait3A_72 : memref<1x10112xi32, #tpu.memory_space<hbm>> -> memref<10112xi32, #tpu.memory_space<hbm>>
    tpu.wait_dma2 semaphore(%arg12 : memref<!tpu.dma_semaphore, #tpu.memory_space<semaphore_mem>>) src(%dma_wait3A_73 : memref<10112xi32, #tpu.memory_space<hbm>>) dst(%dma_wait3A_70 : memref<10112xi32, #tpu.memory_space<vmem>>)
    %scan3A = arith.constant 0 : i32
    %scan3A_74 = arith.constant 0 : i32
    %scan3A_75 = arith.constant 80 : i32
    %scan3A_76 = arith.addi %scan3A_74, %scan3A_75 : i32
    %scan3A_77 = arith.constant 1 : i32
    scf.for %scan3A_87 = %scan3A_74 to %scan3A_76 step %scan3A_77  : i32 {
      %mul3A_88 = arith.constant 2 : i32
      %mul3A_89 = arith.muli %mul3A_88, %scan3A_87 : i32
      %add3A_90 = arith.constant 1 : i32
      %add3A_91 = arith.addi %mul3A_89, %add3A_90 : i32
      %mul3A_92 = arith.constant 2000 : i32
      %mul3A_93 = arith.muli %add3A_91, %mul3A_92 : i32
      %dma_start3A_94 = arith.constant 2000 : i32
      %dma_start3A_95 = tpu.memref_slice %arg9[%dma_start3A_94] : memref<4000xi32, #tpu.memory_space<vmem>> -> memref<2000xi32, #tpu.memory_space<vmem>>
      %dma_start3A_96 = tpu.memref_slice %arg3[%mul3A_93] : memref<320000xi32, #tpu.memory_space<hbm>> -> memref<2000xi32, #tpu.memory_space<hbm>>
      %dma_start3A_97 = arith.constant 2000 : i32
      %dma_start3A_98 = tpu.memref_slice %arg9[%dma_start3A_97] : memref<4000xi32, #tpu.memory_space<vmem>> -> memref<2000xi32, #tpu.memory_space<vmem>>
      %dma_start3A_99 = tpu.memref_slice %arg3[%mul3A_93] : memref<320000xi32, #tpu.memory_space<hbm>> -> memref<2000xi32, #tpu.memory_space<hbm>>
      tpu.enqueue_dma source(%dma_start3A_99 : memref<2000xi32, #tpu.memory_space<hbm>>) target(%dma_start3A_98 : memref<2000xi32, #tpu.memory_space<vmem>>) target_semaphore(%arg14 : memref<!tpu.dma_semaphore, #tpu.memory_space<semaphore_mem>>)
      %dma_start3A_100 = arith.constant 2000 : i32
      %dma_start3A_101 = tpu.memref_slice %arg10[%dma_start3A_100] : memref<4000xi32, #tpu.memory_space<vmem>> -> memref<2000xi32, #tpu.memory_space<vmem>>
      %dma_start3A_102 = tpu.memref_slice %arg4[%mul3A_93] : memref<320000xi32, #tpu.memory_space<hbm>> -> memref<2000xi32, #tpu.memory_space<hbm>>
      %dma_start3A_103 = arith.constant 2000 : i32
      %dma_start3A_104 = tpu.memref_slice %arg10[%dma_start3A_103] : memref<4000xi32, #tpu.memory_space<vmem>> -> memref<2000xi32, #tpu.memory_space<vmem>>
      %dma_start3A_105 = tpu.memref_slice %arg4[%mul3A_93] : memref<320000xi32, #tpu.memory_space<hbm>> -> memref<2000xi32, #tpu.memory_space<hbm>>
      tpu.enqueue_dma source(%dma_start3A_105 : memref<2000xi32, #tpu.memory_space<hbm>>) target(%dma_start3A_104 : memref<2000xi32, #tpu.memory_space<vmem>>) target_semaphore(%arg14 : memref<!tpu.dma_semaphore, #tpu.memory_space<semaphore_mem>>)
      %dma_start3A_106 = arith.constant 2000 : i32
      %dma_start3A_107 = tpu.memref_slice %arg11[%dma_start3A_106] : memref<4000xf32, #tpu.memory_space<vmem>> -> memref<2000xf32, #tpu.memory_space<vmem>>
      %dma_start3A_108 = tpu.memref_slice %arg5[%mul3A_93] : memref<320000xf32, #tpu.memory_space<hbm>> -> memref<2000xf32, #tpu.memory_space<hbm>>
      %dma_start3A_109 = arith.constant 2000 : i32
      %dma_start3A_110 = tpu.memref_slice %arg11[%dma_start3A_109] : memref<4000xf32, #tpu.memory_space<vmem>> -> memref<2000xf32, #tpu.memory_space<vmem>>
      %dma_start3A_111 = tpu.memref_slice %arg5[%mul3A_93] : memref<320000xf32, #tpu.memory_space<hbm>> -> memref<2000xf32, #tpu.memory_space<hbm>>
      tpu.enqueue_dma source(%dma_start3A_111 : memref<2000xf32, #tpu.memory_space<hbm>>) target(%dma_start3A_110 : memref<2000xf32, #tpu.memory_space<vmem>>) target_semaphore(%arg14 : memref<!tpu.dma_semaphore, #tpu.memory_space<semaphore_mem>>)
      %dma_wait3A_112 = arith.constant 0 : i32
      %dma_wait3A_113 = tpu.memref_slice %arg9[%dma_wait3A_112] : memref<4000xi32, #tpu.memory_space<vmem>> -> memref<2000xi32, #tpu.memory_space<vmem>>
      %dma_wait3A_114 = arith.constant 0 : i32
      %dma_wait3A_115 = tpu.memref_slice %arg3[%dma_wait3A_114] : memref<320000xi32, #tpu.memory_space<hbm>> -> memref<2000xi32, #tpu.memory_space<hbm>>
      %dma_wait3A_116 = arith.constant 0 : i32
      %dma_wait3A_117 = tpu.memref_slice %arg9[%dma_wait3A_116] : memref<4000xi32, #tpu.memory_space<vmem>> -> memref<2000xi32, #tpu.memory_space<vmem>>
      %dma_wait3A_118 = arith.constant 0 : i32
      %dma_wait3A_119 = tpu.memref_slice %arg3[%dma_wait3A_118] : memref<320000xi32, #tpu.memory_space<hbm>> -> memref<2000xi32, #tpu.memory_space<hbm>>
      tpu.wait_dma2 semaphore(%arg13 : memref<!tpu.dma_semaphore, #tpu.memory_space<semaphore_mem>>) src(%dma_wait3A_119 : memref<2000xi32, #tpu.memory_space<hbm>>) dst(%dma_wait3A_117 : memref<2000xi32, #tpu.memory_space<vmem>>)
      %dma_wait3A_120 = arith.constant 0 : i32
      %dma_wait3A_121 = tpu.memref_slice %arg10[%dma_wait3A_120] : memref<4000xi32, #tpu.memory_space<vmem>> -> memref<2000xi32, #tpu.memory_space<vmem>>
      %dma_wait3A_122 = arith.constant 0 : i32
      %dma_wait3A_123 = tpu.memref_slice %arg4[%dma_wait3A_122] : memref<320000xi32, #tpu.memory_space<hbm>> -> memref<2000xi32, #tpu.memory_space<hbm>>
      %dma_wait3A_124 = arith.constant 0 : i32
      %dma_wait3A_125 = tpu.memref_slice %arg10[%dma_wait3A_124] : memref<4000xi32, #tpu.memory_space<vmem>> -> memref<2000xi32, #tpu.memory_space<vmem>>
      %dma_wait3A_126 = arith.constant 0 : i32
      %dma_wait3A_127 = tpu.memref_slice %arg4[%dma_wait3A_126] : memref<320000xi32, #tpu.memory_space<hbm>> -> memref<2000xi32, #tpu.memory_space<hbm>>
      tpu.wait_dma2 semaphore(%arg13 : memref<!tpu.dma_semaphore, #tpu.memory_space<semaphore_mem>>) src(%dma_wait3A_127 : memref<2000xi32, #tpu.memory_space<hbm>>) dst(%dma_wait3A_125 : memref<2000xi32, #tpu.memory_space<vmem>>)
      %dma_wait3A_128 = arith.constant 0 : i32
      %dma_wait3A_129 = tpu.memref_slice %arg11[%dma_wait3A_128] : memref<4000xf32, #tpu.memory_space<vmem>> -> memref<2000xf32, #tpu.memory_space<vmem>>
      %dma_wait3A_130 = arith.constant 0 : i32
      %dma_wait3A_131 = tpu.memref_slice %arg5[%dma_wait3A_130] : memref<320000xf32, #tpu.memory_space<hbm>> -> memref<2000xf32, #tpu.memory_space<hbm>>
      %dma_wait3A_132 = arith.constant 0 : i32
      %dma_wait3A_133 = tpu.memref_slice %arg11[%dma_wait3A_132] : memref<4000xf32, #tpu.memory_space<vmem>> -> memref<2000xf32, #tpu.memory_space<vmem>>
      %dma_wait3A_134 = arith.constant 0 : i32
      %dma_wait3A_135 = tpu.memref_slice %arg5[%dma_wait3A_134] : memref<320000xf32, #tpu.memory_space<hbm>> -> memref<2000xf32, #tpu.memory_space<hbm>>
      tpu.wait_dma2 semaphore(%arg13 : memref<!tpu.dma_semaphore, #tpu.memory_space<semaphore_mem>>) src(%dma_wait3A_135 : memref<2000xf32, #tpu.memory_space<hbm>>) dst(%dma_wait3A_133 : memref<2000xf32, #tpu.memory_space<vmem>>)
      %parallel_loop3A_136 = arith.constant 0 : i32
      %parallel_loop3A_137 = arith.constant 125 : i32
      %parallel_loop3A_138 = arith.constant 1 : i32
      scf.for %parallel_loop3A_170 = %parallel_loop3A_136 to %parallel_loop3A_137 step %parallel_loop3A_138  : i32 {
        %parallel_loop3A_171 = arith.constant 16 : i32
        %parallel_loop3A_172 = arith.muli %parallel_loop3A_170, %parallel_loop3A_171 : i32
        %parallel_loop3A_173 = arith.constant 0 : i32
        %parallel_loop3A_174 = arith.addi %parallel_loop3A_173, %parallel_loop3A_172 : i32
        %parallel_loop3A_175 = arith.index_cast %parallel_loop3A_174 : i32 to index
        %parallel_loop3A_176 = tpu.vector_load %arg9[%parallel_loop3A_175] {strides = array<i32>} : memref<4000xi32, #tpu.memory_space<vmem>>, vector<16xi32>,
        %parallel_loop3A_177 = arith.index_cast %parallel_loop3A_174 : i32 to index
        %parallel_loop3A_178 = tpu.vector_load %arg10[%parallel_loop3A_177] {strides = array<i32>} : memref<4000xi32, #tpu.memory_space<vmem>>, vector<16xi32>,
        %parallel_loop3A_179 = arith.index_cast %parallel_loop3A_174 : i32 to index
        %parallel_loop3A_180 = tpu.vector_load %arg11[%parallel_loop3A_179] {strides = array<i32>} : memref<4000xf32, #tpu.memory_space<vmem>>, vector<16xf32>,
        %parallel_loop3A_181 = arith.constant -65536 : i32
        %parallel_loop3A_182 = vector.broadcast %parallel_loop3A_181 : i32 to vector<16xi32>
        %parallel_loop3A_183 = arith.constant 0 : i32
        %parallel_loop3A_184 = vector.broadcast %parallel_loop3A_183 : i32 to vector<16xi32>
        %parallel_loop3A_185 = arith.addi %parallel_loop3A_176, %parallel_loop3A_184 : vector<16xi32>
        %parallel_loop3A_186 = tpu.vector_load_idx %arg8[%parallel_loop3A_185] : memref<20224xi32, #tpu.memory_space<vmem>>[vector<16xi32>], vector<16xi32>,
        %parallel_loop3A_187 = arith.constant 16 : i32
        %parallel_loop3A_188 = vector.broadcast %parallel_loop3A_187 : i32 to vector<16xi32>
        %parallel_loop3A_189 = arith.shli %parallel_loop3A_186, %parallel_loop3A_188 : vector<16xi32>
        %parallel_loop3A_190 = vector.bitcast %parallel_loop3A_189 : vector<16xi32> to vector<16xf32>
        %parallel_loop3A_191 = arith.andi %parallel_loop3A_186, %parallel_loop3A_182 : vector<16xi32>
        %parallel_loop3A_192 = vector.bitcast %parallel_loop3A_191 : vector<16xi32> to vector<16xf32>
        %parallel_loop3A_193 = arith.constant 0 : i32
        %parallel_loop3A_194 = vector.broadcast %parallel_loop3A_193 : i32 to vector<16xi32>
        %parallel_loop3A_195 = arith.addi %parallel_loop3A_178, %parallel_loop3A_194 : vector<16xi32>
        %parallel_loop3A_196 = arith.mulf %parallel_loop3A_190, %parallel_loop3A_180 : vector<16xf32>
        tpu.vector_store_idx %arg7[%parallel_loop3A_195], %parallel_loop3A_196 {add = true} : memref<40448xf32, #tpu.memory_space<vmem>>[vector<16xi32>], vector<16xf32>,
        %parallel_loop3A_197 = arith.constant 10112 : i32
        %parallel_loop3A_198 = vector.broadcast %parallel_loop3A_197 : i32 to vector<16xi32>
        %parallel_loop3A_199 = arith.addi %parallel_loop3A_178, %parallel_loop3A_198 : vector<16xi32>
        %parallel_loop3A_200 = arith.mulf %parallel_loop3A_192, %parallel_loop3A_180 : vector<16xf32>
        tpu.vector_store_idx %arg7[%parallel_loop3A_199], %parallel_loop3A_200 {add = true} : memref<40448xf32, #tpu.memory_space<vmem>>[vector<16xi32>], vector<16xf32>,
        %parallel_loop3A_201 = arith.constant 10112 : i32
        %parallel_loop3A_202 = vector.broadcast %parallel_loop3A_201 : i32 to vector<16xi32>
        %parallel_loop3A_203 = arith.addi %parallel_loop3A_176, %parallel_loop3A_202 : vector<16xi32>
        %parallel_loop3A_204 = tpu.vector_load_idx %arg8[%parallel_loop3A_203] : memref<20224xi32, #tpu.memory_space<vmem>>[vector<16xi32>], vector<16xi32>,
        %parallel_loop3A_205 = arith.constant 16 : i32
        %parallel_loop3A_206 = vector.broadcast %parallel_loop3A_205 : i32 to vector<16xi32>
        %parallel_loop3A_207 = arith.shli %parallel_loop3A_204, %parallel_loop3A_206 : vector<16xi32>
        %parallel_loop3A_208 = vector.bitcast %parallel_loop3A_207 : vector<16xi32> to vector<16xf32>
        %parallel_loop3A_209 = arith.andi %parallel_loop3A_204, %parallel_loop3A_182 : vector<16xi32>
        %parallel_loop3A_210 = vector.bitcast %parallel_loop3A_209 : vector<16xi32> to vector<16xf32>
        %parallel_loop3A_211 = arith.constant 20224 : i32
        %parallel_loop3A_212 = vector.broadcast %parallel_loop3A_211 : i32 to vector<16xi32>
        %parallel_loop3A_213 = arith.addi %parallel_loop3A_178, %parallel_loop3A_212 : vector<16xi32>
        %parallel_loop3A_214 = arith.mulf %parallel_loop3A_208, %parallel_loop3A_180 : vector<16xf32>
        tpu.vector_store_idx %arg7[%parallel_loop3A_213], %parallel_loop3A_214 {add = true} : memref<40448xf32, #tpu.memory_space<vmem>>[vector<16xi32>], vector<16xf32>,
        %parallel_loop3A_215 = arith.constant 30336 : i32
        %parallel_loop3A_216 = vector.broadcast %parallel_loop3A_215 : i32 to vector<16xi32>
        %parallel_loop3A_217 = arith.addi %parallel_loop3A_178, %parallel_loop3A_216 : vector<16xi32>
        %parallel_loop3A_218 = arith.mulf %parallel_loop3A_210, %parallel_loop3A_180 : vector<16xf32>
        tpu.vector_store_idx %arg7[%parallel_loop3A_217], %parallel_loop3A_218 {add = true} : memref<40448xf32, #tpu.memory_space<vmem>>[vector<16xi32>], vector<16xf32>,
      } {sc.loop_unroll_factor = 8 : i64, sc.parallel_access}
      %add3A_139 = arith.constant 1 : i32
      %add3A_140 = arith.addi %scan3A_87, %add3A_139 : i32
      %lt3A = arith.constant 80 : i32
      %lt3A_141 = arith.cmpi slt, %add3A_140, %lt3A : i32
      %convert_element_type3A = arith.extui %lt3A_141 : i1 to i32
      %cond3A = arith.constant 0 : i32
      %cond3A_142 = arith.cmpi ne, %convert_element_type3A, %cond3A : i32
      scf.if %cond3A_142 {
        %mul3A_170 = arith.constant 2 : i32
        %mul3A_171 = arith.muli %mul3A_170, %scan3A_87 : i32
        %add3A_172 = arith.constant 2 : i32
        %add3A_173 = arith.addi %mul3A_171, %add3A_172 : i32
        %mul3A_174 = arith.constant 2000 : i32
        %mul3A_175 = arith.muli %add3A_173, %mul3A_174 : i32
        %dma_start3A_176 = arith.constant 0 : i32
        %dma_start3A_177 = tpu.memref_slice %arg9[%dma_start3A_176] : memref<4000xi32, #tpu.memory_space<vmem>> -> memref<2000xi32, #tpu.memory_space<vmem>>
        %dma_start3A_178 = tpu.memref_slice %arg3[%mul3A_175] : memref<320000xi32, #tpu.memory_space<hbm>> -> memref<2000xi32, #tpu.memory_space<hbm>>
        %dma_start3A_179 = arith.constant 0 : i32
        %dma_start3A_180 = tpu.memref_slice %arg9[%dma_start3A_179] : memref<4000xi32, #tpu.memory_space<vmem>> -> memref<2000xi32, #tpu.memory_space<vmem>>
        %dma_start3A_181 = tpu.memref_slice %arg3[%mul3A_175] : memref<320000xi32, #tpu.memory_space<hbm>> -> memref<2000xi32, #tpu.memory_space<hbm>>
        tpu.enqueue_dma source(%dma_start3A_181 : memref<2000xi32, #tpu.memory_space<hbm>>) target(%dma_start3A_180 : memref<2000xi32, #tpu.memory_space<vmem>>) target_semaphore(%arg13 : memref<!tpu.dma_semaphore, #tpu.memory_space<semaphore_mem>>)
        %dma_start3A_182 = arith.constant 0 : i32
        %dma_start3A_183 = tpu.memref_slice %arg10[%dma_start3A_182] : memref<4000xi32, #tpu.memory_space<vmem>> -> memref<2000xi32, #tpu.memory_space<vmem>>
        %dma_start3A_184 = tpu.memref_slice %arg4[%mul3A_175] : memref<320000xi32, #tpu.memory_space<hbm>> -> memref<2000xi32, #tpu.memory_space<hbm>>
        %dma_start3A_185 = arith.constant 0 : i32
        %dma_start3A_186 = tpu.memref_slice %arg10[%dma_start3A_185] : memref<4000xi32, #tpu.memory_space<vmem>> -> memref<2000xi32, #tpu.memory_space<vmem>>
        %dma_start3A_187 = tpu.memref_slice %arg4[%mul3A_175] : memref<320000xi32, #tpu.memory_space<hbm>> -> memref<2000xi32, #tpu.memory_space<hbm>>
        tpu.enqueue_dma source(%dma_start3A_187 : memref<2000xi32, #tpu.memory_space<hbm>>) target(%dma_start3A_186 : memref<2000xi32, #tpu.memory_space<vmem>>) target_semaphore(%arg13 : memref<!tpu.dma_semaphore, #tpu.memory_space<semaphore_mem>>)
        %dma_start3A_188 = arith.constant 0 : i32
        %dma_start3A_189 = tpu.memref_slice %arg11[%dma_start3A_188] : memref<4000xf32, #tpu.memory_space<vmem>> -> memref<2000xf32, #tpu.memory_space<vmem>>
        %dma_start3A_190 = tpu.memref_slice %arg5[%mul3A_175] : memref<320000xf32, #tpu.memory_space<hbm>> -> memref<2000xf32, #tpu.memory_space<hbm>>
        %dma_start3A_191 = arith.constant 0 : i32
        %dma_start3A_192 = tpu.memref_slice %arg11[%dma_start3A_191] : memref<4000xf32, #tpu.memory_space<vmem>> -> memref<2000xf32, #tpu.memory_space<vmem>>
        %dma_start3A_193 = tpu.memref_slice %arg5[%mul3A_175] : memref<320000xf32, #tpu.memory_space<hbm>> -> memref<2000xf32, #tpu.memory_space<hbm>>
        tpu.enqueue_dma source(%dma_start3A_193 : memref<2000xf32, #tpu.memory_space<hbm>>) target(%dma_start3A_192 : memref<2000xf32, #tpu.memory_space<vmem>>) target_semaphore(%arg13 : memref<!tpu.dma_semaphore, #tpu.memory_space<semaphore_mem>>)
      } else {
      }
      %dma_wait3A_143 = arith.constant 2000 : i32
      %dma_wait3A_144 = tpu.memref_slice %arg9[%dma_wait3A_143] : memref<4000xi32, #tpu.memory_space<vmem>> -> memref<2000xi32, #tpu.memory_space<vmem>>
      %dma_wait3A_145 = arith.constant 0 : i32
      %dma_wait3A_146 = tpu.memref_slice %arg3[%dma_wait3A_145] : memref<320000xi32, #tpu.memory_space<hbm>> -> memref<2000xi32, #tpu.memory_space<hbm>>
      %dma_wait3A_147 = arith.constant 2000 : i32
      %dma_wait3A_148 = tpu.memref_slice %arg9[%dma_wait3A_147] : memref<4000xi32, #tpu.memory_space<vmem>> -> memref<2000xi32, #tpu.memory_space<vmem>>
      %dma_wait3A_149 = arith.constant 0 : i32
      %dma_wait3A_150 = tpu.memref_slice %arg3[%dma_wait3A_149] : memref<320000xi32, #tpu.memory_space<hbm>> -> memref<2000xi32, #tpu.memory_space<hbm>>
      tpu.wait_dma2 semaphore(%arg14 : memref<!tpu.dma_semaphore, #tpu.memory_space<semaphore_mem>>) src(%dma_wait3A_150 : memref<2000xi32, #tpu.memory_space<hbm>>) dst(%dma_wait3A_148 : memref<2000xi32, #tpu.memory_space<vmem>>)
      %dma_wait3A_151 = arith.constant 2000 : i32
      %dma_wait3A_152 = tpu.memref_slice %arg10[%dma_wait3A_151] : memref<4000xi32, #tpu.memory_space<vmem>> -> memref<2000xi32, #tpu.memory_space<vmem>>
      %dma_wait3A_153 = arith.constant 0 : i32
      %dma_wait3A_154 = tpu.memref_slice %arg4[%dma_wait3A_153] : memref<320000xi32, #tpu.memory_space<hbm>> -> memref<2000xi32, #tpu.memory_space<hbm>>
      %dma_wait3A_155 = arith.constant 2000 : i32
      %dma_wait3A_156 = tpu.memref_slice %arg10[%dma_wait3A_155] : memref<4000xi32, #tpu.memory_space<vmem>> -> memref<2000xi32, #tpu.memory_space<vmem>>
      %dma_wait3A_157 = arith.constant 0 : i32
      %dma_wait3A_158 = tpu.memref_slice %arg4[%dma_wait3A_157] : memref<320000xi32, #tpu.memory_space<hbm>> -> memref<2000xi32, #tpu.memory_space<hbm>>
      tpu.wait_dma2 semaphore(%arg14 : memref<!tpu.dma_semaphore, #tpu.memory_space<semaphore_mem>>) src(%dma_wait3A_158 : memref<2000xi32, #tpu.memory_space<hbm>>) dst(%dma_wait3A_156 : memref<2000xi32, #tpu.memory_space<vmem>>)
      %dma_wait3A_159 = arith.constant 2000 : i32
      %dma_wait3A_160 = tpu.memref_slice %arg11[%dma_wait3A_159] : memref<4000xf32, #tpu.memory_space<vmem>> -> memref<2000xf32, #tpu.memory_space<vmem>>
      %dma_wait3A_161 = arith.constant 0 : i32
      %dma_wait3A_162 = tpu.memref_slice %arg5[%dma_wait3A_161] : memref<320000xf32, #tpu.memory_space<hbm>> -> memref<2000xf32, #tpu.memory_space<hbm>>
      %dma_wait3A_163 = arith.constant 2000 : i32
      %dma_wait3A_164 = tpu.memref_slice %arg11[%dma_wait3A_163] : memref<4000xf32, #tpu.memory_space<vmem>> -> memref<2000xf32, #tpu.memory_space<vmem>>
      %dma_wait3A_165 = arith.constant 0 : i32
      %dma_wait3A_166 = tpu.memref_slice %arg5[%dma_wait3A_165] : memref<320000xf32, #tpu.memory_space<hbm>> -> memref<2000xf32, #tpu.memory_space<hbm>>
      tpu.wait_dma2 semaphore(%arg14 : memref<!tpu.dma_semaphore, #tpu.memory_space<semaphore_mem>>) src(%dma_wait3A_166 : memref<2000xf32, #tpu.memory_space<hbm>>) dst(%dma_wait3A_164 : memref<2000xf32, #tpu.memory_space<vmem>>)
      %parallel_loop3A_167 = arith.constant 0 : i32
      %parallel_loop3A_168 = arith.constant 125 : i32
      %parallel_loop3A_169 = arith.constant 1 : i32
      scf.for %parallel_loop3A_170 = %parallel_loop3A_167 to %parallel_loop3A_168 step %parallel_loop3A_169  : i32 {
        %parallel_loop3A_171 = arith.constant 16 : i32
        %parallel_loop3A_172 = arith.muli %parallel_loop3A_170, %parallel_loop3A_171 : i32
        %parallel_loop3A_173 = arith.constant 2000 : i32
        %parallel_loop3A_174 = arith.addi %parallel_loop3A_173, %parallel_loop3A_172 : i32
        %parallel_loop3A_175 = arith.index_cast %parallel_loop3A_174 : i32 to index
        %parallel_loop3A_176 = tpu.vector_load %arg9[%parallel_loop3A_175] {strides = array<i32>} : memref<4000xi32, #tpu.memory_space<vmem>>, vector<16xi32>,
        %parallel_loop3A_177 = arith.index_cast %parallel_loop3A_174 : i32 to index
        %parallel_loop3A_178 = tpu.vector_load %arg10[%parallel_loop3A_177] {strides = array<i32>} : memref<4000xi32, #tpu.memory_space<vmem>>, vector<16xi32>,
        %parallel_loop3A_179 = arith.index_cast %parallel_loop3A_174 : i32 to index
        %parallel_loop3A_180 = tpu.vector_load %arg11[%parallel_loop3A_179] {strides = array<i32>} : memref<4000xf32, #tpu.memory_space<vmem>>, vector<16xf32>,
        %parallel_loop3A_181 = arith.constant -65536 : i32
        %parallel_loop3A_182 = vector.broadcast %parallel_loop3A_181 : i32 to vector<16xi32>
        %parallel_loop3A_183 = arith.constant 0 : i32
        %parallel_loop3A_184 = vector.broadcast %parallel_loop3A_183 : i32 to vector<16xi32>
        %parallel_loop3A_185 = arith.addi %parallel_loop3A_176, %parallel_loop3A_184 : vector<16xi32>
        %parallel_loop3A_186 = tpu.vector_load_idx %arg8[%parallel_loop3A_185] : memref<20224xi32, #tpu.memory_space<vmem>>[vector<16xi32>], vector<16xi32>,
        %parallel_loop3A_187 = arith.constant 16 : i32
        %parallel_loop3A_188 = vector.broadcast %parallel_loop3A_187 : i32 to vector<16xi32>
        %parallel_loop3A_189 = arith.shli %parallel_loop3A_186, %parallel_loop3A_188 : vector<16xi32>
        %parallel_loop3A_190 = vector.bitcast %parallel_loop3A_189 : vector<16xi32> to vector<16xf32>
        %parallel_loop3A_191 = arith.andi %parallel_loop3A_186, %parallel_loop3A_182 : vector<16xi32>
        %parallel_loop3A_192 = vector.bitcast %parallel_loop3A_191 : vector<16xi32> to vector<16xf32>
        %parallel_loop3A_193 = arith.constant 0 : i32
        %parallel_loop3A_194 = vector.broadcast %parallel_loop3A_193 : i32 to vector<16xi32>
        %parallel_loop3A_195 = arith.addi %parallel_loop3A_178, %parallel_loop3A_194 : vector<16xi32>
        %parallel_loop3A_196 = arith.mulf %parallel_loop3A_190, %parallel_loop3A_180 : vector<16xf32>
        tpu.vector_store_idx %arg7[%parallel_loop3A_195], %parallel_loop3A_196 {add = true} : memref<40448xf32, #tpu.memory_space<vmem>>[vector<16xi32>], vector<16xf32>,
        %parallel_loop3A_197 = arith.constant 10112 : i32
        %parallel_loop3A_198 = vector.broadcast %parallel_loop3A_197 : i32 to vector<16xi32>
        %parallel_loop3A_199 = arith.addi %parallel_loop3A_178, %parallel_loop3A_198 : vector<16xi32>
        %parallel_loop3A_200 = arith.mulf %parallel_loop3A_192, %parallel_loop3A_180 : vector<16xf32>
        tpu.vector_store_idx %arg7[%parallel_loop3A_199], %parallel_loop3A_200 {add = true} : memref<40448xf32, #tpu.memory_space<vmem>>[vector<16xi32>], vector<16xf32>,
        %parallel_loop3A_201 = arith.constant 10112 : i32
        %parallel_loop3A_202 = vector.broadcast %parallel_loop3A_201 : i32 to vector<16xi32>
        %parallel_loop3A_203 = arith.addi %parallel_loop3A_176, %parallel_loop3A_202 : vector<16xi32>
        %parallel_loop3A_204 = tpu.vector_load_idx %arg8[%parallel_loop3A_203] : memref<20224xi32, #tpu.memory_space<vmem>>[vector<16xi32>], vector<16xi32>,
        %parallel_loop3A_205 = arith.constant 16 : i32
        %parallel_loop3A_206 = vector.broadcast %parallel_loop3A_205 : i32 to vector<16xi32>
        %parallel_loop3A_207 = arith.shli %parallel_loop3A_204, %parallel_loop3A_206 : vector<16xi32>
        %parallel_loop3A_208 = vector.bitcast %parallel_loop3A_207 : vector<16xi32> to vector<16xf32>
        %parallel_loop3A_209 = arith.andi %parallel_loop3A_204, %parallel_loop3A_182 : vector<16xi32>
        %parallel_loop3A_210 = vector.bitcast %parallel_loop3A_209 : vector<16xi32> to vector<16xf32>
        %parallel_loop3A_211 = arith.constant 20224 : i32
        %parallel_loop3A_212 = vector.broadcast %parallel_loop3A_211 : i32 to vector<16xi32>
        %parallel_loop3A_213 = arith.addi %parallel_loop3A_178, %parallel_loop3A_212 : vector<16xi32>
        %parallel_loop3A_214 = arith.mulf %parallel_loop3A_208, %parallel_loop3A_180 : vector<16xf32>
        tpu.vector_store_idx %arg7[%parallel_loop3A_213], %parallel_loop3A_214 {add = true} : memref<40448xf32, #tpu.memory_space<vmem>>[vector<16xi32>], vector<16xf32>,
        %parallel_loop3A_215 = arith.constant 30336 : i32
        %parallel_loop3A_216 = vector.broadcast %parallel_loop3A_215 : i32 to vector<16xi32>
        %parallel_loop3A_217 = arith.addi %parallel_loop3A_178, %parallel_loop3A_216 : vector<16xi32>
        %parallel_loop3A_218 = arith.mulf %parallel_loop3A_210, %parallel_loop3A_180 : vector<16xf32>
        tpu.vector_store_idx %arg7[%parallel_loop3A_217], %parallel_loop3A_218 {add = true} : memref<40448xf32, #tpu.memory_space<vmem>>[vector<16xi32>], vector<16xf32>,
      } {sc.loop_unroll_factor = 8 : i64, sc.parallel_access}
    }
    %scan3A_78 = arith.constant 80 : i32
    %add3A_79 = arith.constant 0 : i32
    %add3A_80 = arith.addi %mul3A_2, %add3A_79 : i32
    "tpu.region"() ({
      %run_scoped3A = tpu.sem_alloc : memref<!tpu.dma_semaphore, #tpu.memory_space<semaphore_mem>>
      %dma_start3A_87 = arith.constant 0 : i32
      %dma_start3A_88 = tpu.memref_slice %arg7[%dma_start3A_87] : memref<40448xf32, #tpu.memory_space<vmem>> -> memref<10112xf32, #tpu.memory_space<vmem>>
      %dma_start3A_89 = arith.constant 0 : i32
      %dma_start3A_90 = tpu.memref_slice %arg6[%add3A_80, %dma_start3A_89] : memref<128x10112xf32, #tpu.memory_space<hbm>> -> memref<1x10112xf32, #tpu.memory_space<hbm>>
      %dma_start3A_91 = tpu.memref_squeeze %dma_start3A_90 : memref<1x10112xf32, #tpu.memory_space<hbm>> -> memref<10112xf32, #tpu.memory_space<hbm>>
      %dma_start3A_92 = arith.constant 0 : i32
      %dma_start3A_93 = tpu.memref_slice %arg6[%add3A_80, %dma_start3A_92] : memref<128x10112xf32, #tpu.memory_space<hbm>> -> memref<1x10112xf32, #tpu.memory_space<hbm>>
      %dma_start3A_94 = tpu.memref_squeeze %dma_start3A_93 : memref<1x10112xf32, #tpu.memory_space<hbm>> -> memref<10112xf32, #tpu.memory_space<hbm>>
      %dma_start3A_95 = arith.constant 0 : i32
      %dma_start3A_96 = tpu.memref_slice %arg7[%dma_start3A_95] : memref<40448xf32, #tpu.memory_space<vmem>> -> memref<10112xf32, #tpu.memory_space<vmem>>
      tpu.enqueue_dma source(%dma_start3A_96 : memref<10112xf32, #tpu.memory_space<vmem>>) target(%dma_start3A_94 : memref<10112xf32, #tpu.memory_space<hbm>>) target_semaphore(%run_scoped3A : memref<!tpu.dma_semaphore, #tpu.memory_space<semaphore_mem>>)
      %dma_wait3A_97 = arith.constant 0 : i32
      %dma_wait3A_98 = tpu.memref_slice %arg7[%dma_wait3A_97] : memref<40448xf32, #tpu.memory_space<vmem>> -> memref<10112xf32, #tpu.memory_space<vmem>>
      %dma_wait3A_99 = arith.constant 0 : i32
      %dma_wait3A_100 = tpu.memref_slice %arg6[%add3A_80, %dma_wait3A_99] : memref<128x10112xf32, #tpu.memory_space<hbm>> -> memref<1x10112xf32, #tpu.memory_space<hbm>>
      %dma_wait3A_101 = tpu.memref_squeeze %dma_wait3A_100 : memref<1x10112xf32, #tpu.memory_space<hbm>> -> memref<10112xf32, #tpu.memory_space<hbm>>
      %dma_wait3A_102 = arith.constant 0 : i32
      %dma_wait3A_103 = tpu.memref_slice %arg6[%add3A_80, %dma_wait3A_102] : memref<128x10112xf32, #tpu.memory_space<hbm>> -> memref<1x10112xf32, #tpu.memory_space<hbm>>
      %dma_wait3A_104 = tpu.memref_squeeze %dma_wait3A_103 : memref<1x10112xf32, #tpu.memory_space<hbm>> -> memref<10112xf32, #tpu.memory_space<hbm>>
      %dma_wait3A_105 = arith.constant 0 : i32
      %dma_wait3A_106 = tpu.memref_slice %arg7[%dma_wait3A_105] : memref<40448xf32, #tpu.memory_space<vmem>> -> memref<10112xf32, #tpu.memory_space<vmem>>
      tpu.wait_dma2 semaphore(%run_scoped3A : memref<!tpu.dma_semaphore, #tpu.memory_space<semaphore_mem>>) src(%dma_wait3A_106 : memref<10112xf32, #tpu.memory_space<vmem>>) dst(%dma_wait3A_104 : memref<10112xf32, #tpu.memory_space<hbm>>)
      tpu.yield
    }) : () -> ()
    %add3A_81 = arith.constant 1 : i32
    %add3A_82 = arith.addi %mul3A_2, %add3A_81 : i32
    "tpu.region"() ({
      %run_scoped3A = tpu.sem_alloc : memref<!tpu.dma_semaphore, #tpu.memory_space<semaphore_mem>>
      %dma_start3A_87 = arith.constant 10112 : i32
      %dma_start3A_88 = tpu.memref_slice %arg7[%dma_start3A_87] : memref<40448xf32, #tpu.memory_space<vmem>> -> memref<10112xf32, #tpu.memory_space<vmem>>
      %dma_start3A_89 = arith.constant 0 : i32
      %dma_start3A_90 = tpu.memref_slice %arg6[%add3A_82, %dma_start3A_89] : memref<128x10112xf32, #tpu.memory_space<hbm>> -> memref<1x10112xf32, #tpu.memory_space<hbm>>
      %dma_start3A_91 = tpu.memref_squeeze %dma_start3A_90 : memref<1x10112xf32, #tpu.memory_space<hbm>> -> memref<10112xf32, #tpu.memory_space<hbm>>
      %dma_start3A_92 = arith.constant 0 : i32
      %dma_start3A_93 = tpu.memref_slice %arg6[%add3A_82, %dma_start3A_92] : memref<128x10112xf32, #tpu.memory_space<hbm>> -> memref<1x10112xf32, #tpu.memory_space<hbm>>
      %dma_start3A_94 = tpu.memref_squeeze %dma_start3A_93 : memref<1x10112xf32, #tpu.memory_space<hbm>> -> memref<10112xf32, #tpu.memory_space<hbm>>
      %dma_start3A_95 = arith.constant 10112 : i32
      %dma_start3A_96 = tpu.memref_slice %arg7[%dma_start3A_95] : memref<40448xf32, #tpu.memory_space<vmem>> -> memref<10112xf32, #tpu.memory_space<vmem>>
      tpu.enqueue_dma source(%dma_start3A_96 : memref<10112xf32, #tpu.memory_space<vmem>>) target(%dma_start3A_94 : memref<10112xf32, #tpu.memory_space<hbm>>) target_semaphore(%run_scoped3A : memref<!tpu.dma_semaphore, #tpu.memory_space<semaphore_mem>>)
      %dma_wait3A_97 = arith.constant 10112 : i32
      %dma_wait3A_98 = tpu.memref_slice %arg7[%dma_wait3A_97] : memref<40448xf32, #tpu.memory_space<vmem>> -> memref<10112xf32, #tpu.memory_space<vmem>>
      %dma_wait3A_99 = arith.constant 0 : i32
      %dma_wait3A_100 = tpu.memref_slice %arg6[%add3A_82, %dma_wait3A_99] : memref<128x10112xf32, #tpu.memory_space<hbm>> -> memref<1x10112xf32, #tpu.memory_space<hbm>>
      %dma_wait3A_101 = tpu.memref_squeeze %dma_wait3A_100 : memref<1x10112xf32, #tpu.memory_space<hbm>> -> memref<10112xf32, #tpu.memory_space<hbm>>
      %dma_wait3A_102 = arith.constant 0 : i32
      %dma_wait3A_103 = tpu.memref_slice %arg6[%add3A_82, %dma_wait3A_102] : memref<128x10112xf32, #tpu.memory_space<hbm>> -> memref<1x10112xf32, #tpu.memory_space<hbm>>
      %dma_wait3A_104 = tpu.memref_squeeze %dma_wait3A_103 : memref<1x10112xf32, #tpu.memory_space<hbm>> -> memref<10112xf32, #tpu.memory_space<hbm>>
      %dma_wait3A_105 = arith.constant 10112 : i32
      %dma_wait3A_106 = tpu.memref_slice %arg7[%dma_wait3A_105] : memref<40448xf32, #tpu.memory_space<vmem>> -> memref<10112xf32, #tpu.memory_space<vmem>>
      tpu.wait_dma2 semaphore(%run_scoped3A : memref<!tpu.dma_semaphore, #tpu.memory_space<semaphore_mem>>) src(%dma_wait3A_106 : memref<10112xf32, #tpu.memory_space<vmem>>) dst(%dma_wait3A_104 : memref<10112xf32, #tpu.memory_space<hbm>>)
      tpu.yield
    }) : () -> ()
    %add3A_83 = arith.constant 2 : i32
    %add3A_84 = arith.addi %mul3A_2, %add3A_83 : i32
    "tpu.region"() ({
      %run_scoped3A = tpu.sem_alloc : memref<!tpu.dma_semaphore, #tpu.memory_space<semaphore_mem>>
      %dma_start3A_87 = arith.constant 20224 : i32
      %dma_start3A_88 = tpu.memref_slice %arg7[%dma_start3A_87] : memref<40448xf32, #tpu.memory_space<vmem>> -> memref<10112xf32, #tpu.memory_space<vmem>>
      %dma_start3A_89 = arith.constant 0 : i32
      %dma_start3A_90 = tpu.memref_slice %arg6[%add3A_84, %dma_start3A_89] : memref<128x10112xf32, #tpu.memory_space<hbm>> -> memref<1x10112xf32, #tpu.memory_space<hbm>>
      %dma_start3A_91 = tpu.memref_squeeze %dma_start3A_90 : memref<1x10112xf32, #tpu.memory_space<hbm>> -> memref<10112xf32, #tpu.memory_space<hbm>>
      %dma_start3A_92 = arith.constant 0 : i32
      %dma_start3A_93 = tpu.memref_slice %arg6[%add3A_84, %dma_start3A_92] : memref<128x10112xf32, #tpu.memory_space<hbm>> -> memref<1x10112xf32, #tpu.memory_space<hbm>>
      %dma_start3A_94 = tpu.memref_squeeze %dma_start3A_93 : memref<1x10112xf32, #tpu.memory_space<hbm>> -> memref<10112xf32, #tpu.memory_space<hbm>>
      %dma_start3A_95 = arith.constant 20224 : i32
      %dma_start3A_96 = tpu.memref_slice %arg7[%dma_start3A_95] : memref<40448xf32, #tpu.memory_space<vmem>> -> memref<10112xf32, #tpu.memory_space<vmem>>
      tpu.enqueue_dma source(%dma_start3A_96 : memref<10112xf32, #tpu.memory_space<vmem>>) target(%dma_start3A_94 : memref<10112xf32, #tpu.memory_space<hbm>>) target_semaphore(%run_scoped3A : memref<!tpu.dma_semaphore, #tpu.memory_space<semaphore_mem>>)
      %dma_wait3A_97 = arith.constant 20224 : i32
      %dma_wait3A_98 = tpu.memref_slice %arg7[%dma_wait3A_97] : memref<40448xf32, #tpu.memory_space<vmem>> -> memref<10112xf32, #tpu.memory_space<vmem>>
      %dma_wait3A_99 = arith.constant 0 : i32
      %dma_wait3A_100 = tpu.memref_slice %arg6[%add3A_84, %dma_wait3A_99] : memref<128x10112xf32, #tpu.memory_space<hbm>> -> memref<1x10112xf32, #tpu.memory_space<hbm>>
      %dma_wait3A_101 = tpu.memref_squeeze %dma_wait3A_100 : memref<1x10112xf32, #tpu.memory_space<hbm>> -> memref<10112xf32, #tpu.memory_space<hbm>>
      %dma_wait3A_102 = arith.constant 0 : i32
      %dma_wait3A_103 = tpu.memref_slice %arg6[%add3A_84, %dma_wait3A_102] : memref<128x10112xf32, #tpu.memory_space<hbm>> -> memref<1x10112xf32, #tpu.memory_space<hbm>>
      %dma_wait3A_104 = tpu.memref_squeeze %dma_wait3A_103 : memref<1x10112xf32, #tpu.memory_space<hbm>> -> memref<10112xf32, #tpu.memory_space<hbm>>
      %dma_wait3A_105 = arith.constant 20224 : i32
      %dma_wait3A_106 = tpu.memref_slice %arg7[%dma_wait3A_105] : memref<40448xf32, #tpu.memory_space<vmem>> -> memref<10112xf32, #tpu.memory_space<vmem>>
      tpu.wait_dma2 semaphore(%run_scoped3A : memref<!tpu.dma_semaphore, #tpu.memory_space<semaphore_mem>>) src(%dma_wait3A_106 : memref<10112xf32, #tpu.memory_space<vmem>>) dst(%dma_wait3A_104 : memref<10112xf32, #tpu.memory_space<hbm>>)
      tpu.yield
    }) : () -> ()
    %add3A_85 = arith.constant 3 : i32
    %add3A_86 = arith.addi %mul3A_2, %add3A_85 : i32
    "tpu.region"() ({
      %run_scoped3A = tpu.sem_alloc : memref<!tpu.dma_semaphore, #tpu.memory_space<semaphore_mem>>
      %dma_start3A_87 = arith.constant 30336 : i32
      %dma_start3A_88 = tpu.memref_slice %arg7[%dma_start3A_87] : memref<40448xf32, #tpu.memory_space<vmem>> -> memref<10112xf32, #tpu.memory_space<vmem>>
      %dma_start3A_89 = arith.constant 0 : i32
      %dma_start3A_90 = tpu.memref_slice %arg6[%add3A_86, %dma_start3A_89] : memref<128x10112xf32, #tpu.memory_space<hbm>> -> memref<1x10112xf32, #tpu.memory_space<hbm>>
      %dma_start3A_91 = tpu.memref_squeeze %dma_start3A_90 : memref<1x10112xf32, #tpu.memory_space<hbm>> -> memref<10112xf32, #tpu.memory_space<hbm>>
      %dma_start3A_92 = arith.constant 0 : i32
      %dma_start3A_93 = tpu.memref_slice %arg6[%add3A_86, %dma_start3A_92] : memref<128x10112xf32, #tpu.memory_space<hbm>> -> memref<1x10112xf32, #tpu.memory_space<hbm>>
      %dma_start3A_94 = tpu.memref_squeeze %dma_start3A_93 : memref<1x10112xf32, #tpu.memory_space<hbm>> -> memref<10112xf32, #tpu.memory_space<hbm>>
      %dma_start3A_95 = arith.constant 30336 : i32
      %dma_start3A_96 = tpu.memref_slice %arg7[%dma_start3A_95] : memref<40448xf32, #tpu.memory_space<vmem>> -> memref<10112xf32, #tpu.memory_space<vmem>>
      tpu.enqueue_dma source(%dma_start3A_96 : memref<10112xf32, #tpu.memory_space<vmem>>) target(%dma_start3A_94 : memref<10112xf32, #tpu.memory_space<hbm>>) target_semaphore(%run_scoped3A : memref<!tpu.dma_semaphore, #tpu.memory_space<semaphore_mem>>)
      %dma_wait3A_97 = arith.constant 30336 : i32
      %dma_wait3A_98 = tpu.memref_slice %arg7[%dma_wait3A_97] : memref<40448xf32, #tpu.memory_space<vmem>> -> memref<10112xf32, #tpu.memory_space<vmem>>
      %dma_wait3A_99 = arith.constant 0 : i32
      %dma_wait3A_100 = tpu.memref_slice %arg6[%add3A_86, %dma_wait3A_99] : memref<128x10112xf32, #tpu.memory_space<hbm>> -> memref<1x10112xf32, #tpu.memory_space<hbm>>
      %dma_wait3A_101 = tpu.memref_squeeze %dma_wait3A_100 : memref<1x10112xf32, #tpu.memory_space<hbm>> -> memref<10112xf32, #tpu.memory_space<hbm>>
      %dma_wait3A_102 = arith.constant 0 : i32
      %dma_wait3A_103 = tpu.memref_slice %arg6[%add3A_86, %dma_wait3A_102] : memref<128x10112xf32, #tpu.memory_space<hbm>> -> memref<1x10112xf32, #tpu.memory_space<hbm>>
      %dma_wait3A_104 = tpu.memref_squeeze %dma_wait3A_103 : memref<1x10112xf32, #tpu.memory_space<hbm>> -> memref<10112xf32, #tpu.memory_space<hbm>>
      %dma_wait3A_105 = arith.constant 30336 : i32
      %dma_wait3A_106 = tpu.memref_slice %arg7[%dma_wait3A_105] : memref<40448xf32, #tpu.memory_space<vmem>> -> memref<10112xf32, #tpu.memory_space<vmem>>
      tpu.wait_dma2 semaphore(%run_scoped3A : memref<!tpu.dma_semaphore, #tpu.memory_space<semaphore_mem>>) src(%dma_wait3A_106 : memref<10112xf32, #tpu.memory_space<vmem>>) dst(%dma_wait3A_104 : memref<10112xf32, #tpu.memory_space<hbm>>)
      tpu.yield
    }) : () -> ()
    return
  }
}

#map = affine_map<(d0, d1) -> (0, 0)>
#map1 = affine_map<(d0, d1) -> (0)>
module attributes {stable_mosaic.version = 14 : i64} {
  func.func @agg(%arg0: i32, %arg1: i32, %arg2: memref<32x10112xi32, #tpu.memory_space<hbm>>, %arg3: memref<320000xi32, #tpu.memory_space<hbm>>, %arg4: memref<320000xi32, #tpu.memory_space<hbm>>, %arg5: memref<320000xf32, #tpu.memory_space<hbm>>, %arg6: memref<64x10112xf32, #tpu.memory_space<hbm>>, %arg7: memref<20224xf32, #tpu.memory_space<vmem>>, %arg8: memref<10112xi32, #tpu.memory_space<vmem>>, %arg9: memref<4000xi32, #tpu.memory_space<vmem>>, %arg10: memref<4000xi32, #tpu.memory_space<vmem>>, %arg11: memref<4000xf32, #tpu.memory_space<vmem>>, %arg12: memref<!tpu.dma_semaphore, #tpu.memory_space<semaphore_mem>>, %arg13: memref<!tpu.dma_semaphore, #tpu.memory_space<semaphore_mem>>, %arg14: memref<!tpu.dma_semaphore, #tpu.memory_space<semaphore_mem>>) attributes {dimension_semantics = [#tpu.dimension_semantics<core_parallel>, #tpu.dimension_semantics<subcore_parallel>], iteration_bounds = array<i64: 2, 16>, scalar_prefetch = 0 : i64, scratch_operands = 8 : i64, tpu.core_type = #tpu.core_type<sc_vector_subcore>, window_params = [{transform_indices = #map}, {transform_indices = #map1}, {transform_indices = #map1}, {transform_indices = #map1}, {transform_indices = #map}]} {
    %mul3A = arith.constant 2 : i32
    %mul3A_0 = arith.muli %arg1, %mul3A : i32
    %add3A = arith.addi %mul3A_0, %arg0 : i32
    %mul3A_1 = arith.constant 2 : i32
    %mul3A_2 = arith.muli %add3A, %mul3A_1 : i32
    %mul3A_3 = arith.constant 1 : i32
    %mul3A_4 = arith.muli %add3A, %mul3A_3 : i32
    %add3A_5 = arith.constant 0 : i32
    %add3A_6 = arith.addi %mul3A_4, %add3A_5 : i32
    %dma_start3A = arith.constant 0 : i32
    %dma_start3A_7 = tpu.memref_slice %arg8[%dma_start3A] : memref<10112xi32, #tpu.memory_space<vmem>> -> memref<10112xi32, #tpu.memory_space<vmem>>
    %dma_start3A_8 = arith.constant 0 : i32
    %dma_start3A_9 = tpu.memref_slice %arg2[%add3A_6, %dma_start3A_8] : memref<32x10112xi32, #tpu.memory_space<hbm>> -> memref<1x10112xi32, #tpu.memory_space<hbm>>
    %dma_start3A_10 = tpu.memref_squeeze %dma_start3A_9 : memref<1x10112xi32, #tpu.memory_space<hbm>> -> memref<10112xi32, #tpu.memory_space<hbm>>
    %dma_start3A_11 = arith.constant 0 : i32
    %dma_start3A_12 = tpu.memref_slice %arg8[%dma_start3A_11] : memref<10112xi32, #tpu.memory_space<vmem>> -> memref<10112xi32, #tpu.memory_space<vmem>>
    %dma_start3A_13 = arith.constant 0 : i32
    %dma_start3A_14 = tpu.memref_slice %arg2[%add3A_6, %dma_start3A_13] : memref<32x10112xi32, #tpu.memory_space<hbm>> -> memref<1x10112xi32, #tpu.memory_space<hbm>>
    %dma_start3A_15 = tpu.memref_squeeze %dma_start3A_14 : memref<1x10112xi32, #tpu.memory_space<hbm>> -> memref<10112xi32, #tpu.memory_space<hbm>>
    tpu.enqueue_dma source(%dma_start3A_15 : memref<10112xi32, #tpu.memory_space<hbm>>) target(%dma_start3A_12 : memref<10112xi32, #tpu.memory_space<vmem>>) target_semaphore(%arg12 : memref<!tpu.dma_semaphore, #tpu.memory_space<semaphore_mem>>)
    %dma_start3A_16 = arith.constant 0 : i32
    %dma_start3A_17 = tpu.memref_slice %arg9[%dma_start3A_16] : memref<4000xi32, #tpu.memory_space<vmem>> -> memref<2000xi32, #tpu.memory_space<vmem>>
    %dma_start3A_18 = arith.constant 0 : i32
    %dma_start3A_19 = tpu.memref_slice %arg3[%dma_start3A_18] : memref<320000xi32, #tpu.memory_space<hbm>> -> memref<2000xi32, #tpu.memory_space<hbm>>
    %dma_start3A_20 = arith.constant 0 : i32
    %dma_start3A_21 = tpu.memref_slice %arg9[%dma_start3A_20] : memref<4000xi32, #tpu.memory_space<vmem>> -> memref<2000xi32, #tpu.memory_space<vmem>>
    %dma_start3A_22 = arith.constant 0 : i32
    %dma_start3A_23 = tpu.memref_slice %arg3[%dma_start3A_22] : memref<320000xi32, #tpu.memory_space<hbm>> -> memref<2000xi32, #tpu.memory_space<hbm>>
    tpu.enqueue_dma source(%dma_start3A_23 : memref<2000xi32, #tpu.memory_space<hbm>>) target(%dma_start3A_21 : memref<2000xi32, #tpu.memory_space<vmem>>) target_semaphore(%arg13 : memref<!tpu.dma_semaphore, #tpu.memory_space<semaphore_mem>>)
    %dma_start3A_24 = arith.constant 0 : i32
    %dma_start3A_25 = tpu.memref_slice %arg10[%dma_start3A_24] : memref<4000xi32, #tpu.memory_space<vmem>> -> memref<2000xi32, #tpu.memory_space<vmem>>
    %dma_start3A_26 = arith.constant 0 : i32
    %dma_start3A_27 = tpu.memref_slice %arg4[%dma_start3A_26] : memref<320000xi32, #tpu.memory_space<hbm>> -> memref<2000xi32, #tpu.memory_space<hbm>>
    %dma_start3A_28 = arith.constant 0 : i32
    %dma_start3A_29 = tpu.memref_slice %arg10[%dma_start3A_28] : memref<4000xi32, #tpu.memory_space<vmem>> -> memref<2000xi32, #tpu.memory_space<vmem>>
    %dma_start3A_30 = arith.constant 0 : i32
    %dma_start3A_31 = tpu.memref_slice %arg4[%dma_start3A_30] : memref<320000xi32, #tpu.memory_space<hbm>> -> memref<2000xi32, #tpu.memory_space<hbm>>
    tpu.enqueue_dma source(%dma_start3A_31 : memref<2000xi32, #tpu.memory_space<hbm>>) target(%dma_start3A_29 : memref<2000xi32, #tpu.memory_space<vmem>>) target_semaphore(%arg13 : memref<!tpu.dma_semaphore, #tpu.memory_space<semaphore_mem>>)
    %dma_start3A_32 = arith.constant 0 : i32
    %dma_start3A_33 = tpu.memref_slice %arg11[%dma_start3A_32] : memref<4000xf32, #tpu.memory_space<vmem>> -> memref<2000xf32, #tpu.memory_space<vmem>>
    %dma_start3A_34 = arith.constant 0 : i32
    %dma_start3A_35 = tpu.memref_slice %arg5[%dma_start3A_34] : memref<320000xf32, #tpu.memory_space<hbm>> -> memref<2000xf32, #tpu.memory_space<hbm>>
    %dma_start3A_36 = arith.constant 0 : i32
    %dma_start3A_37 = tpu.memref_slice %arg11[%dma_start3A_36] : memref<4000xf32, #tpu.memory_space<vmem>> -> memref<2000xf32, #tpu.memory_space<vmem>>
    %dma_start3A_38 = arith.constant 0 : i32
    %dma_start3A_39 = tpu.memref_slice %arg5[%dma_start3A_38] : memref<320000xf32, #tpu.memory_space<hbm>> -> memref<2000xf32, #tpu.memory_space<hbm>>
    tpu.enqueue_dma source(%dma_start3A_39 : memref<2000xf32, #tpu.memory_space<hbm>>) target(%dma_start3A_37 : memref<2000xf32, #tpu.memory_space<vmem>>) target_semaphore(%arg13 : memref<!tpu.dma_semaphore, #tpu.memory_space<semaphore_mem>>)
    %broadcast_in_dim3A = arith.constant 0.000000e+00 : f32
    %broadcast_in_dim3A_40 = vector.broadcast %broadcast_in_dim3A : f32 to vector<16xf32>
    %parallel_loop3A = arith.constant 0 : i32
    %parallel_loop3A_41 = arith.constant 1264 : i32
    %parallel_loop3A_42 = arith.constant 1 : i32
    scf.for %parallel_loop3A_61 = %parallel_loop3A to %parallel_loop3A_41 step %parallel_loop3A_42  : i32 {
      %parallel_loop3A_62 = arith.constant 16 : i32
      %parallel_loop3A_63 = arith.muli %parallel_loop3A_61, %parallel_loop3A_62 : i32
      %parallel_loop3A_64 = arith.index_cast %parallel_loop3A_63 : i32 to index
      %parallel_loop3A_65 = tpu.vector_load %arg7[%parallel_loop3A_64] {strides = array<i32>} : memref<20224xf32, #tpu.memory_space<vmem>>, vector<16xf32>,
      tpu.vector_store %arg7[%parallel_loop3A_64], %broadcast_in_dim3A_40 {strides = array<i32>} : memref<20224xf32, #tpu.memory_space<vmem>>, vector<16xf32>,
    } {sc.loop_unroll_factor = 8 : i64, sc.parallel_access}
    %dma_wait3A = arith.constant 0 : i32
    %dma_wait3A_43 = tpu.memref_slice %arg8[%dma_wait3A] : memref<10112xi32, #tpu.memory_space<vmem>> -> memref<10112xi32, #tpu.memory_space<vmem>>
    %dma_wait3A_44 = arith.constant 0 : i32
    %dma_wait3A_45 = tpu.memref_slice %arg2[%add3A_6, %dma_wait3A_44] : memref<32x10112xi32, #tpu.memory_space<hbm>> -> memref<1x10112xi32, #tpu.memory_space<hbm>>
    %dma_wait3A_46 = tpu.memref_squeeze %dma_wait3A_45 : memref<1x10112xi32, #tpu.memory_space<hbm>> -> memref<10112xi32, #tpu.memory_space<hbm>>
    %dma_wait3A_47 = arith.constant 0 : i32
    %dma_wait3A_48 = tpu.memref_slice %arg8[%dma_wait3A_47] : memref<10112xi32, #tpu.memory_space<vmem>> -> memref<10112xi32, #tpu.memory_space<vmem>>
    %dma_wait3A_49 = arith.constant 0 : i32
    %dma_wait3A_50 = tpu.memref_slice %arg2[%add3A_6, %dma_wait3A_49] : memref<32x10112xi32, #tpu.memory_space<hbm>> -> memref<1x10112xi32, #tpu.memory_space<hbm>>
    %dma_wait3A_51 = tpu.memref_squeeze %dma_wait3A_50 : memref<1x10112xi32, #tpu.memory_space<hbm>> -> memref<10112xi32, #tpu.memory_space<hbm>>
    tpu.wait_dma2 semaphore(%arg12 : memref<!tpu.dma_semaphore, #tpu.memory_space<semaphore_mem>>) src(%dma_wait3A_51 : memref<10112xi32, #tpu.memory_space<hbm>>) dst(%dma_wait3A_48 : memref<10112xi32, #tpu.memory_space<vmem>>)
    %scan3A = arith.constant 0 : i32
    %scan3A_52 = arith.constant 0 : i32
    %scan3A_53 = arith.constant 80 : i32
    %scan3A_54 = arith.addi %scan3A_52, %scan3A_53 : i32
    %scan3A_55 = arith.constant 1 : i32
    scf.for %scan3A_61 = %scan3A_52 to %scan3A_54 step %scan3A_55  : i32 {
      %mul3A_62 = arith.constant 2 : i32
      %mul3A_63 = arith.muli %mul3A_62, %scan3A_61 : i32
      %add3A_64 = arith.constant 1 : i32
      %add3A_65 = arith.addi %mul3A_63, %add3A_64 : i32
      %mul3A_66 = arith.constant 2000 : i32
      %mul3A_67 = arith.muli %add3A_65, %mul3A_66 : i32
      %dma_start3A_68 = arith.constant 2000 : i32
      %dma_start3A_69 = tpu.memref_slice %arg9[%dma_start3A_68] : memref<4000xi32, #tpu.memory_space<vmem>> -> memref<2000xi32, #tpu.memory_space<vmem>>
      %dma_start3A_70 = tpu.memref_slice %arg3[%mul3A_67] : memref<320000xi32, #tpu.memory_space<hbm>> -> memref<2000xi32, #tpu.memory_space<hbm>>
      %dma_start3A_71 = arith.constant 2000 : i32
      %dma_start3A_72 = tpu.memref_slice %arg9[%dma_start3A_71] : memref<4000xi32, #tpu.memory_space<vmem>> -> memref<2000xi32, #tpu.memory_space<vmem>>
      %dma_start3A_73 = tpu.memref_slice %arg3[%mul3A_67] : memref<320000xi32, #tpu.memory_space<hbm>> -> memref<2000xi32, #tpu.memory_space<hbm>>
      tpu.enqueue_dma source(%dma_start3A_73 : memref<2000xi32, #tpu.memory_space<hbm>>) target(%dma_start3A_72 : memref<2000xi32, #tpu.memory_space<vmem>>) target_semaphore(%arg14 : memref<!tpu.dma_semaphore, #tpu.memory_space<semaphore_mem>>)
      %dma_start3A_74 = arith.constant 2000 : i32
      %dma_start3A_75 = tpu.memref_slice %arg10[%dma_start3A_74] : memref<4000xi32, #tpu.memory_space<vmem>> -> memref<2000xi32, #tpu.memory_space<vmem>>
      %dma_start3A_76 = tpu.memref_slice %arg4[%mul3A_67] : memref<320000xi32, #tpu.memory_space<hbm>> -> memref<2000xi32, #tpu.memory_space<hbm>>
      %dma_start3A_77 = arith.constant 2000 : i32
      %dma_start3A_78 = tpu.memref_slice %arg10[%dma_start3A_77] : memref<4000xi32, #tpu.memory_space<vmem>> -> memref<2000xi32, #tpu.memory_space<vmem>>
      %dma_start3A_79 = tpu.memref_slice %arg4[%mul3A_67] : memref<320000xi32, #tpu.memory_space<hbm>> -> memref<2000xi32, #tpu.memory_space<hbm>>
      tpu.enqueue_dma source(%dma_start3A_79 : memref<2000xi32, #tpu.memory_space<hbm>>) target(%dma_start3A_78 : memref<2000xi32, #tpu.memory_space<vmem>>) target_semaphore(%arg14 : memref<!tpu.dma_semaphore, #tpu.memory_space<semaphore_mem>>)
      %dma_start3A_80 = arith.constant 2000 : i32
      %dma_start3A_81 = tpu.memref_slice %arg11[%dma_start3A_80] : memref<4000xf32, #tpu.memory_space<vmem>> -> memref<2000xf32, #tpu.memory_space<vmem>>
      %dma_start3A_82 = tpu.memref_slice %arg5[%mul3A_67] : memref<320000xf32, #tpu.memory_space<hbm>> -> memref<2000xf32, #tpu.memory_space<hbm>>
      %dma_start3A_83 = arith.constant 2000 : i32
      %dma_start3A_84 = tpu.memref_slice %arg11[%dma_start3A_83] : memref<4000xf32, #tpu.memory_space<vmem>> -> memref<2000xf32, #tpu.memory_space<vmem>>
      %dma_start3A_85 = tpu.memref_slice %arg5[%mul3A_67] : memref<320000xf32, #tpu.memory_space<hbm>> -> memref<2000xf32, #tpu.memory_space<hbm>>
      tpu.enqueue_dma source(%dma_start3A_85 : memref<2000xf32, #tpu.memory_space<hbm>>) target(%dma_start3A_84 : memref<2000xf32, #tpu.memory_space<vmem>>) target_semaphore(%arg14 : memref<!tpu.dma_semaphore, #tpu.memory_space<semaphore_mem>>)
      %dma_wait3A_86 = arith.constant 0 : i32
      %dma_wait3A_87 = tpu.memref_slice %arg9[%dma_wait3A_86] : memref<4000xi32, #tpu.memory_space<vmem>> -> memref<2000xi32, #tpu.memory_space<vmem>>
      %dma_wait3A_88 = arith.constant 0 : i32
      %dma_wait3A_89 = tpu.memref_slice %arg3[%dma_wait3A_88] : memref<320000xi32, #tpu.memory_space<hbm>> -> memref<2000xi32, #tpu.memory_space<hbm>>
      %dma_wait3A_90 = arith.constant 0 : i32
      %dma_wait3A_91 = tpu.memref_slice %arg9[%dma_wait3A_90] : memref<4000xi32, #tpu.memory_space<vmem>> -> memref<2000xi32, #tpu.memory_space<vmem>>
      %dma_wait3A_92 = arith.constant 0 : i32
      %dma_wait3A_93 = tpu.memref_slice %arg3[%dma_wait3A_92] : memref<320000xi32, #tpu.memory_space<hbm>> -> memref<2000xi32, #tpu.memory_space<hbm>>
      tpu.wait_dma2 semaphore(%arg13 : memref<!tpu.dma_semaphore, #tpu.memory_space<semaphore_mem>>) src(%dma_wait3A_93 : memref<2000xi32, #tpu.memory_space<hbm>>) dst(%dma_wait3A_91 : memref<2000xi32, #tpu.memory_space<vmem>>)
      %dma_wait3A_94 = arith.constant 0 : i32
      %dma_wait3A_95 = tpu.memref_slice %arg10[%dma_wait3A_94] : memref<4000xi32, #tpu.memory_space<vmem>> -> memref<2000xi32, #tpu.memory_space<vmem>>
      %dma_wait3A_96 = arith.constant 0 : i32
      %dma_wait3A_97 = tpu.memref_slice %arg4[%dma_wait3A_96] : memref<320000xi32, #tpu.memory_space<hbm>> -> memref<2000xi32, #tpu.memory_space<hbm>>
      %dma_wait3A_98 = arith.constant 0 : i32
      %dma_wait3A_99 = tpu.memref_slice %arg10[%dma_wait3A_98] : memref<4000xi32, #tpu.memory_space<vmem>> -> memref<2000xi32, #tpu.memory_space<vmem>>
      %dma_wait3A_100 = arith.constant 0 : i32
      %dma_wait3A_101 = tpu.memref_slice %arg4[%dma_wait3A_100] : memref<320000xi32, #tpu.memory_space<hbm>> -> memref<2000xi32, #tpu.memory_space<hbm>>
      tpu.wait_dma2 semaphore(%arg13 : memref<!tpu.dma_semaphore, #tpu.memory_space<semaphore_mem>>) src(%dma_wait3A_101 : memref<2000xi32, #tpu.memory_space<hbm>>) dst(%dma_wait3A_99 : memref<2000xi32, #tpu.memory_space<vmem>>)
      %dma_wait3A_102 = arith.constant 0 : i32
      %dma_wait3A_103 = tpu.memref_slice %arg11[%dma_wait3A_102] : memref<4000xf32, #tpu.memory_space<vmem>> -> memref<2000xf32, #tpu.memory_space<vmem>>
      %dma_wait3A_104 = arith.constant 0 : i32
      %dma_wait3A_105 = tpu.memref_slice %arg5[%dma_wait3A_104] : memref<320000xf32, #tpu.memory_space<hbm>> -> memref<2000xf32, #tpu.memory_space<hbm>>
      %dma_wait3A_106 = arith.constant 0 : i32
      %dma_wait3A_107 = tpu.memref_slice %arg11[%dma_wait3A_106] : memref<4000xf32, #tpu.memory_space<vmem>> -> memref<2000xf32, #tpu.memory_space<vmem>>
      %dma_wait3A_108 = arith.constant 0 : i32
      %dma_wait3A_109 = tpu.memref_slice %arg5[%dma_wait3A_108] : memref<320000xf32, #tpu.memory_space<hbm>> -> memref<2000xf32, #tpu.memory_space<hbm>>
      tpu.wait_dma2 semaphore(%arg13 : memref<!tpu.dma_semaphore, #tpu.memory_space<semaphore_mem>>) src(%dma_wait3A_109 : memref<2000xf32, #tpu.memory_space<hbm>>) dst(%dma_wait3A_107 : memref<2000xf32, #tpu.memory_space<vmem>>)
      %parallel_loop3A_110 = arith.constant 0 : i32
      %parallel_loop3A_111 = arith.constant 125 : i32
      %parallel_loop3A_112 = arith.constant 1 : i32
      scf.for %parallel_loop3A_144 = %parallel_loop3A_110 to %parallel_loop3A_111 step %parallel_loop3A_112  : i32 {
        %parallel_loop3A_145 = arith.constant 16 : i32
        %parallel_loop3A_146 = arith.muli %parallel_loop3A_144, %parallel_loop3A_145 : i32
        %parallel_loop3A_147 = arith.constant 0 : i32
        %parallel_loop3A_148 = arith.addi %parallel_loop3A_147, %parallel_loop3A_146 : i32
        %parallel_loop3A_149 = arith.index_cast %parallel_loop3A_148 : i32 to index
        %parallel_loop3A_150 = tpu.vector_load %arg9[%parallel_loop3A_149] {strides = array<i32>} : memref<4000xi32, #tpu.memory_space<vmem>>, vector<16xi32>,
        %parallel_loop3A_151 = arith.index_cast %parallel_loop3A_148 : i32 to index
        %parallel_loop3A_152 = tpu.vector_load %arg10[%parallel_loop3A_151] {strides = array<i32>} : memref<4000xi32, #tpu.memory_space<vmem>>, vector<16xi32>,
        %parallel_loop3A_153 = arith.index_cast %parallel_loop3A_148 : i32 to index
        %parallel_loop3A_154 = tpu.vector_load %arg11[%parallel_loop3A_153] {strides = array<i32>} : memref<4000xf32, #tpu.memory_space<vmem>>, vector<16xf32>,
        %parallel_loop3A_155 = arith.constant -65536 : i32
        %parallel_loop3A_156 = vector.broadcast %parallel_loop3A_155 : i32 to vector<16xi32>
        %parallel_loop3A_157 = arith.constant 0 : i32
        %parallel_loop3A_158 = vector.broadcast %parallel_loop3A_157 : i32 to vector<16xi32>
        %parallel_loop3A_159 = arith.addi %parallel_loop3A_150, %parallel_loop3A_158 : vector<16xi32>
        %parallel_loop3A_160 = tpu.vector_load_idx %arg8[%parallel_loop3A_159] : memref<10112xi32, #tpu.memory_space<vmem>>[vector<16xi32>], vector<16xi32>,
        %parallel_loop3A_161 = arith.constant 16 : i32
        %parallel_loop3A_162 = vector.broadcast %parallel_loop3A_161 : i32 to vector<16xi32>
        %parallel_loop3A_163 = arith.shli %parallel_loop3A_160, %parallel_loop3A_162 : vector<16xi32>
        %parallel_loop3A_164 = vector.bitcast %parallel_loop3A_163 : vector<16xi32> to vector<16xf32>
        %parallel_loop3A_165 = arith.andi %parallel_loop3A_160, %parallel_loop3A_156 : vector<16xi32>
        %parallel_loop3A_166 = vector.bitcast %parallel_loop3A_165 : vector<16xi32> to vector<16xf32>
        %parallel_loop3A_167 = arith.constant 0 : i32
        %parallel_loop3A_168 = vector.broadcast %parallel_loop3A_167 : i32 to vector<16xi32>
        %parallel_loop3A_169 = arith.addi %parallel_loop3A_152, %parallel_loop3A_168 : vector<16xi32>
        %parallel_loop3A_170 = arith.mulf %parallel_loop3A_164, %parallel_loop3A_154 : vector<16xf32>
        tpu.vector_store_idx %arg7[%parallel_loop3A_169], %parallel_loop3A_170 {add = true} : memref<20224xf32, #tpu.memory_space<vmem>>[vector<16xi32>], vector<16xf32>,
        %parallel_loop3A_171 = arith.constant 10112 : i32
        %parallel_loop3A_172 = vector.broadcast %parallel_loop3A_171 : i32 to vector<16xi32>
        %parallel_loop3A_173 = arith.addi %parallel_loop3A_152, %parallel_loop3A_172 : vector<16xi32>
        %parallel_loop3A_174 = arith.mulf %parallel_loop3A_166, %parallel_loop3A_154 : vector<16xf32>
        tpu.vector_store_idx %arg7[%parallel_loop3A_173], %parallel_loop3A_174 {add = true} : memref<20224xf32, #tpu.memory_space<vmem>>[vector<16xi32>], vector<16xf32>,
      } {sc.loop_unroll_factor = 8 : i64, sc.parallel_access}
      %add3A_113 = arith.constant 1 : i32
      %add3A_114 = arith.addi %scan3A_61, %add3A_113 : i32
      %lt3A = arith.constant 80 : i32
      %lt3A_115 = arith.cmpi slt, %add3A_114, %lt3A : i32
      %convert_element_type3A = arith.extui %lt3A_115 : i1 to i32
      %cond3A = arith.constant 0 : i32
      %cond3A_116 = arith.cmpi ne, %convert_element_type3A, %cond3A : i32
      scf.if %cond3A_116 {
        %mul3A_144 = arith.constant 2 : i32
        %mul3A_145 = arith.muli %mul3A_144, %scan3A_61 : i32
        %add3A_146 = arith.constant 2 : i32
        %add3A_147 = arith.addi %mul3A_145, %add3A_146 : i32
        %mul3A_148 = arith.constant 2000 : i32
        %mul3A_149 = arith.muli %add3A_147, %mul3A_148 : i32
        %dma_start3A_150 = arith.constant 0 : i32
        %dma_start3A_151 = tpu.memref_slice %arg9[%dma_start3A_150] : memref<4000xi32, #tpu.memory_space<vmem>> -> memref<2000xi32, #tpu.memory_space<vmem>>
        %dma_start3A_152 = tpu.memref_slice %arg3[%mul3A_149] : memref<320000xi32, #tpu.memory_space<hbm>> -> memref<2000xi32, #tpu.memory_space<hbm>>
        %dma_start3A_153 = arith.constant 0 : i32
        %dma_start3A_154 = tpu.memref_slice %arg9[%dma_start3A_153] : memref<4000xi32, #tpu.memory_space<vmem>> -> memref<2000xi32, #tpu.memory_space<vmem>>
        %dma_start3A_155 = tpu.memref_slice %arg3[%mul3A_149] : memref<320000xi32, #tpu.memory_space<hbm>> -> memref<2000xi32, #tpu.memory_space<hbm>>
        tpu.enqueue_dma source(%dma_start3A_155 : memref<2000xi32, #tpu.memory_space<hbm>>) target(%dma_start3A_154 : memref<2000xi32, #tpu.memory_space<vmem>>) target_semaphore(%arg13 : memref<!tpu.dma_semaphore, #tpu.memory_space<semaphore_mem>>)
        %dma_start3A_156 = arith.constant 0 : i32
        %dma_start3A_157 = tpu.memref_slice %arg10[%dma_start3A_156] : memref<4000xi32, #tpu.memory_space<vmem>> -> memref<2000xi32, #tpu.memory_space<vmem>>
        %dma_start3A_158 = tpu.memref_slice %arg4[%mul3A_149] : memref<320000xi32, #tpu.memory_space<hbm>> -> memref<2000xi32, #tpu.memory_space<hbm>>
        %dma_start3A_159 = arith.constant 0 : i32
        %dma_start3A_160 = tpu.memref_slice %arg10[%dma_start3A_159] : memref<4000xi32, #tpu.memory_space<vmem>> -> memref<2000xi32, #tpu.memory_space<vmem>>
        %dma_start3A_161 = tpu.memref_slice %arg4[%mul3A_149] : memref<320000xi32, #tpu.memory_space<hbm>> -> memref<2000xi32, #tpu.memory_space<hbm>>
        tpu.enqueue_dma source(%dma_start3A_161 : memref<2000xi32, #tpu.memory_space<hbm>>) target(%dma_start3A_160 : memref<2000xi32, #tpu.memory_space<vmem>>) target_semaphore(%arg13 : memref<!tpu.dma_semaphore, #tpu.memory_space<semaphore_mem>>)
        %dma_start3A_162 = arith.constant 0 : i32
        %dma_start3A_163 = tpu.memref_slice %arg11[%dma_start3A_162] : memref<4000xf32, #tpu.memory_space<vmem>> -> memref<2000xf32, #tpu.memory_space<vmem>>
        %dma_start3A_164 = tpu.memref_slice %arg5[%mul3A_149] : memref<320000xf32, #tpu.memory_space<hbm>> -> memref<2000xf32, #tpu.memory_space<hbm>>
        %dma_start3A_165 = arith.constant 0 : i32
        %dma_start3A_166 = tpu.memref_slice %arg11[%dma_start3A_165] : memref<4000xf32, #tpu.memory_space<vmem>> -> memref<2000xf32, #tpu.memory_space<vmem>>
        %dma_start3A_167 = tpu.memref_slice %arg5[%mul3A_149] : memref<320000xf32, #tpu.memory_space<hbm>> -> memref<2000xf32, #tpu.memory_space<hbm>>
        tpu.enqueue_dma source(%dma_start3A_167 : memref<2000xf32, #tpu.memory_space<hbm>>) target(%dma_start3A_166 : memref<2000xf32, #tpu.memory_space<vmem>>) target_semaphore(%arg13 : memref<!tpu.dma_semaphore, #tpu.memory_space<semaphore_mem>>)
      } else {
      }
      %dma_wait3A_117 = arith.constant 2000 : i32
      %dma_wait3A_118 = tpu.memref_slice %arg9[%dma_wait3A_117] : memref<4000xi32, #tpu.memory_space<vmem>> -> memref<2000xi32, #tpu.memory_space<vmem>>
      %dma_wait3A_119 = arith.constant 0 : i32
      %dma_wait3A_120 = tpu.memref_slice %arg3[%dma_wait3A_119] : memref<320000xi32, #tpu.memory_space<hbm>> -> memref<2000xi32, #tpu.memory_space<hbm>>
      %dma_wait3A_121 = arith.constant 2000 : i32
      %dma_wait3A_122 = tpu.memref_slice %arg9[%dma_wait3A_121] : memref<4000xi32, #tpu.memory_space<vmem>> -> memref<2000xi32, #tpu.memory_space<vmem>>
      %dma_wait3A_123 = arith.constant 0 : i32
      %dma_wait3A_124 = tpu.memref_slice %arg3[%dma_wait3A_123] : memref<320000xi32, #tpu.memory_space<hbm>> -> memref<2000xi32, #tpu.memory_space<hbm>>
      tpu.wait_dma2 semaphore(%arg14 : memref<!tpu.dma_semaphore, #tpu.memory_space<semaphore_mem>>) src(%dma_wait3A_124 : memref<2000xi32, #tpu.memory_space<hbm>>) dst(%dma_wait3A_122 : memref<2000xi32, #tpu.memory_space<vmem>>)
      %dma_wait3A_125 = arith.constant 2000 : i32
      %dma_wait3A_126 = tpu.memref_slice %arg10[%dma_wait3A_125] : memref<4000xi32, #tpu.memory_space<vmem>> -> memref<2000xi32, #tpu.memory_space<vmem>>
      %dma_wait3A_127 = arith.constant 0 : i32
      %dma_wait3A_128 = tpu.memref_slice %arg4[%dma_wait3A_127] : memref<320000xi32, #tpu.memory_space<hbm>> -> memref<2000xi32, #tpu.memory_space<hbm>>
      %dma_wait3A_129 = arith.constant 2000 : i32
      %dma_wait3A_130 = tpu.memref_slice %arg10[%dma_wait3A_129] : memref<4000xi32, #tpu.memory_space<vmem>> -> memref<2000xi32, #tpu.memory_space<vmem>>
      %dma_wait3A_131 = arith.constant 0 : i32
      %dma_wait3A_132 = tpu.memref_slice %arg4[%dma_wait3A_131] : memref<320000xi32, #tpu.memory_space<hbm>> -> memref<2000xi32, #tpu.memory_space<hbm>>
      tpu.wait_dma2 semaphore(%arg14 : memref<!tpu.dma_semaphore, #tpu.memory_space<semaphore_mem>>) src(%dma_wait3A_132 : memref<2000xi32, #tpu.memory_space<hbm>>) dst(%dma_wait3A_130 : memref<2000xi32, #tpu.memory_space<vmem>>)
      %dma_wait3A_133 = arith.constant 2000 : i32
      %dma_wait3A_134 = tpu.memref_slice %arg11[%dma_wait3A_133] : memref<4000xf32, #tpu.memory_space<vmem>> -> memref<2000xf32, #tpu.memory_space<vmem>>
      %dma_wait3A_135 = arith.constant 0 : i32
      %dma_wait3A_136 = tpu.memref_slice %arg5[%dma_wait3A_135] : memref<320000xf32, #tpu.memory_space<hbm>> -> memref<2000xf32, #tpu.memory_space<hbm>>
      %dma_wait3A_137 = arith.constant 2000 : i32
      %dma_wait3A_138 = tpu.memref_slice %arg11[%dma_wait3A_137] : memref<4000xf32, #tpu.memory_space<vmem>> -> memref<2000xf32, #tpu.memory_space<vmem>>
      %dma_wait3A_139 = arith.constant 0 : i32
      %dma_wait3A_140 = tpu.memref_slice %arg5[%dma_wait3A_139] : memref<320000xf32, #tpu.memory_space<hbm>> -> memref<2000xf32, #tpu.memory_space<hbm>>
      tpu.wait_dma2 semaphore(%arg14 : memref<!tpu.dma_semaphore, #tpu.memory_space<semaphore_mem>>) src(%dma_wait3A_140 : memref<2000xf32, #tpu.memory_space<hbm>>) dst(%dma_wait3A_138 : memref<2000xf32, #tpu.memory_space<vmem>>)
      %parallel_loop3A_141 = arith.constant 0 : i32
      %parallel_loop3A_142 = arith.constant 125 : i32
      %parallel_loop3A_143 = arith.constant 1 : i32
      scf.for %parallel_loop3A_144 = %parallel_loop3A_141 to %parallel_loop3A_142 step %parallel_loop3A_143  : i32 {
        %parallel_loop3A_145 = arith.constant 16 : i32
        %parallel_loop3A_146 = arith.muli %parallel_loop3A_144, %parallel_loop3A_145 : i32
        %parallel_loop3A_147 = arith.constant 2000 : i32
        %parallel_loop3A_148 = arith.addi %parallel_loop3A_147, %parallel_loop3A_146 : i32
        %parallel_loop3A_149 = arith.index_cast %parallel_loop3A_148 : i32 to index
        %parallel_loop3A_150 = tpu.vector_load %arg9[%parallel_loop3A_149] {strides = array<i32>} : memref<4000xi32, #tpu.memory_space<vmem>>, vector<16xi32>,
        %parallel_loop3A_151 = arith.index_cast %parallel_loop3A_148 : i32 to index
        %parallel_loop3A_152 = tpu.vector_load %arg10[%parallel_loop3A_151] {strides = array<i32>} : memref<4000xi32, #tpu.memory_space<vmem>>, vector<16xi32>,
        %parallel_loop3A_153 = arith.index_cast %parallel_loop3A_148 : i32 to index
        %parallel_loop3A_154 = tpu.vector_load %arg11[%parallel_loop3A_153] {strides = array<i32>} : memref<4000xf32, #tpu.memory_space<vmem>>, vector<16xf32>,
        %parallel_loop3A_155 = arith.constant -65536 : i32
        %parallel_loop3A_156 = vector.broadcast %parallel_loop3A_155 : i32 to vector<16xi32>
        %parallel_loop3A_157 = arith.constant 0 : i32
        %parallel_loop3A_158 = vector.broadcast %parallel_loop3A_157 : i32 to vector<16xi32>
        %parallel_loop3A_159 = arith.addi %parallel_loop3A_150, %parallel_loop3A_158 : vector<16xi32>
        %parallel_loop3A_160 = tpu.vector_load_idx %arg8[%parallel_loop3A_159] : memref<10112xi32, #tpu.memory_space<vmem>>[vector<16xi32>], vector<16xi32>,
        %parallel_loop3A_161 = arith.constant 16 : i32
        %parallel_loop3A_162 = vector.broadcast %parallel_loop3A_161 : i32 to vector<16xi32>
        %parallel_loop3A_163 = arith.shli %parallel_loop3A_160, %parallel_loop3A_162 : vector<16xi32>
        %parallel_loop3A_164 = vector.bitcast %parallel_loop3A_163 : vector<16xi32> to vector<16xf32>
        %parallel_loop3A_165 = arith.andi %parallel_loop3A_160, %parallel_loop3A_156 : vector<16xi32>
        %parallel_loop3A_166 = vector.bitcast %parallel_loop3A_165 : vector<16xi32> to vector<16xf32>
        %parallel_loop3A_167 = arith.constant 0 : i32
        %parallel_loop3A_168 = vector.broadcast %parallel_loop3A_167 : i32 to vector<16xi32>
        %parallel_loop3A_169 = arith.addi %parallel_loop3A_152, %parallel_loop3A_168 : vector<16xi32>
        %parallel_loop3A_170 = arith.mulf %parallel_loop3A_164, %parallel_loop3A_154 : vector<16xf32>
        tpu.vector_store_idx %arg7[%parallel_loop3A_169], %parallel_loop3A_170 {add = true} : memref<20224xf32, #tpu.memory_space<vmem>>[vector<16xi32>], vector<16xf32>,
        %parallel_loop3A_171 = arith.constant 10112 : i32
        %parallel_loop3A_172 = vector.broadcast %parallel_loop3A_171 : i32 to vector<16xi32>
        %parallel_loop3A_173 = arith.addi %parallel_loop3A_152, %parallel_loop3A_172 : vector<16xi32>
        %parallel_loop3A_174 = arith.mulf %parallel_loop3A_166, %parallel_loop3A_154 : vector<16xf32>
        tpu.vector_store_idx %arg7[%parallel_loop3A_173], %parallel_loop3A_174 {add = true} : memref<20224xf32, #tpu.memory_space<vmem>>[vector<16xi32>], vector<16xf32>,
      } {sc.loop_unroll_factor = 8 : i64, sc.parallel_access}
    }
    %scan3A_56 = arith.constant 80 : i32
    %add3A_57 = arith.constant 0 : i32
    %add3A_58 = arith.addi %mul3A_2, %add3A_57 : i32
    "tpu.region"() ({
      %run_scoped3A = tpu.sem_alloc : memref<!tpu.dma_semaphore, #tpu.memory_space<semaphore_mem>>
      %dma_start3A_61 = arith.constant 0 : i32
      %dma_start3A_62 = tpu.memref_slice %arg7[%dma_start3A_61] : memref<20224xf32, #tpu.memory_space<vmem>> -> memref<10112xf32, #tpu.memory_space<vmem>>
      %dma_start3A_63 = arith.constant 0 : i32
      %dma_start3A_64 = tpu.memref_slice %arg6[%add3A_58, %dma_start3A_63] : memref<64x10112xf32, #tpu.memory_space<hbm>> -> memref<1x10112xf32, #tpu.memory_space<hbm>>
      %dma_start3A_65 = tpu.memref_squeeze %dma_start3A_64 : memref<1x10112xf32, #tpu.memory_space<hbm>> -> memref<10112xf32, #tpu.memory_space<hbm>>
      %dma_start3A_66 = arith.constant 0 : i32
      %dma_start3A_67 = tpu.memref_slice %arg6[%add3A_58, %dma_start3A_66] : memref<64x10112xf32, #tpu.memory_space<hbm>> -> memref<1x10112xf32, #tpu.memory_space<hbm>>
      %dma_start3A_68 = tpu.memref_squeeze %dma_start3A_67 : memref<1x10112xf32, #tpu.memory_space<hbm>> -> memref<10112xf32, #tpu.memory_space<hbm>>
      %dma_start3A_69 = arith.constant 0 : i32
      %dma_start3A_70 = tpu.memref_slice %arg7[%dma_start3A_69] : memref<20224xf32, #tpu.memory_space<vmem>> -> memref<10112xf32, #tpu.memory_space<vmem>>
      tpu.enqueue_dma source(%dma_start3A_70 : memref<10112xf32, #tpu.memory_space<vmem>>) target(%dma_start3A_68 : memref<10112xf32, #tpu.memory_space<hbm>>) target_semaphore(%run_scoped3A : memref<!tpu.dma_semaphore, #tpu.memory_space<semaphore_mem>>)
      %dma_wait3A_71 = arith.constant 0 : i32
      %dma_wait3A_72 = tpu.memref_slice %arg7[%dma_wait3A_71] : memref<20224xf32, #tpu.memory_space<vmem>> -> memref<10112xf32, #tpu.memory_space<vmem>>
      %dma_wait3A_73 = arith.constant 0 : i32
      %dma_wait3A_74 = tpu.memref_slice %arg6[%add3A_58, %dma_wait3A_73] : memref<64x10112xf32, #tpu.memory_space<hbm>> -> memref<1x10112xf32, #tpu.memory_space<hbm>>
      %dma_wait3A_75 = tpu.memref_squeeze %dma_wait3A_74 : memref<1x10112xf32, #tpu.memory_space<hbm>> -> memref<10112xf32, #tpu.memory_space<hbm>>
      %dma_wait3A_76 = arith.constant 0 : i32
      %dma_wait3A_77 = tpu.memref_slice %arg6[%add3A_58, %dma_wait3A_76] : memref<64x10112xf32, #tpu.memory_space<hbm>> -> memref<1x10112xf32, #tpu.memory_space<hbm>>
      %dma_wait3A_78 = tpu.memref_squeeze %dma_wait3A_77 : memref<1x10112xf32, #tpu.memory_space<hbm>> -> memref<10112xf32, #tpu.memory_space<hbm>>
      %dma_wait3A_79 = arith.constant 0 : i32
      %dma_wait3A_80 = tpu.memref_slice %arg7[%dma_wait3A_79] : memref<20224xf32, #tpu.memory_space<vmem>> -> memref<10112xf32, #tpu.memory_space<vmem>>
      tpu.wait_dma2 semaphore(%run_scoped3A : memref<!tpu.dma_semaphore, #tpu.memory_space<semaphore_mem>>) src(%dma_wait3A_80 : memref<10112xf32, #tpu.memory_space<vmem>>) dst(%dma_wait3A_78 : memref<10112xf32, #tpu.memory_space<hbm>>)
      tpu.yield
    }) : () -> ()
    %add3A_59 = arith.constant 1 : i32
    %add3A_60 = arith.addi %mul3A_2, %add3A_59 : i32
    "tpu.region"() ({
      %run_scoped3A = tpu.sem_alloc : memref<!tpu.dma_semaphore, #tpu.memory_space<semaphore_mem>>
      %dma_start3A_61 = arith.constant 10112 : i32
      %dma_start3A_62 = tpu.memref_slice %arg7[%dma_start3A_61] : memref<20224xf32, #tpu.memory_space<vmem>> -> memref<10112xf32, #tpu.memory_space<vmem>>
      %dma_start3A_63 = arith.constant 0 : i32
      %dma_start3A_64 = tpu.memref_slice %arg6[%add3A_60, %dma_start3A_63] : memref<64x10112xf32, #tpu.memory_space<hbm>> -> memref<1x10112xf32, #tpu.memory_space<hbm>>
      %dma_start3A_65 = tpu.memref_squeeze %dma_start3A_64 : memref<1x10112xf32, #tpu.memory_space<hbm>> -> memref<10112xf32, #tpu.memory_space<hbm>>
      %dma_start3A_66 = arith.constant 0 : i32
      %dma_start3A_67 = tpu.memref_slice %arg6[%add3A_60, %dma_start3A_66] : memref<64x10112xf32, #tpu.memory_space<hbm>> -> memref<1x10112xf32, #tpu.memory_space<hbm>>
      %dma_start3A_68 = tpu.memref_squeeze %dma_start3A_67 : memref<1x10112xf32, #tpu.memory_space<hbm>> -> memref<10112xf32, #tpu.memory_space<hbm>>
      %dma_start3A_69 = arith.constant 10112 : i32
      %dma_start3A_70 = tpu.memref_slice %arg7[%dma_start3A_69] : memref<20224xf32, #tpu.memory_space<vmem>> -> memref<10112xf32, #tpu.memory_space<vmem>>
      tpu.enqueue_dma source(%dma_start3A_70 : memref<10112xf32, #tpu.memory_space<vmem>>) target(%dma_start3A_68 : memref<10112xf32, #tpu.memory_space<hbm>>) target_semaphore(%run_scoped3A : memref<!tpu.dma_semaphore, #tpu.memory_space<semaphore_mem>>)
      %dma_wait3A_71 = arith.constant 10112 : i32
      %dma_wait3A_72 = tpu.memref_slice %arg7[%dma_wait3A_71] : memref<20224xf32, #tpu.memory_space<vmem>> -> memref<10112xf32, #tpu.memory_space<vmem>>
      %dma_wait3A_73 = arith.constant 0 : i32
      %dma_wait3A_74 = tpu.memref_slice %arg6[%add3A_60, %dma_wait3A_73] : memref<64x10112xf32, #tpu.memory_space<hbm>> -> memref<1x10112xf32, #tpu.memory_space<hbm>>
      %dma_wait3A_75 = tpu.memref_squeeze %dma_wait3A_74 : memref<1x10112xf32, #tpu.memory_space<hbm>> -> memref<10112xf32, #tpu.memory_space<hbm>>
      %dma_wait3A_76 = arith.constant 0 : i32
      %dma_wait3A_77 = tpu.memref_slice %arg6[%add3A_60, %dma_wait3A_76] : memref<64x10112xf32, #tpu.memory_space<hbm>> -> memref<1x10112xf32, #tpu.memory_space<hbm>>
      %dma_wait3A_78 = tpu.memref_squeeze %dma_wait3A_77 : memref<1x10112xf32, #tpu.memory_space<hbm>> -> memref<10112xf32, #tpu.memory_space<hbm>>
      %dma_wait3A_79 = arith.constant 10112 : i32
      %dma_wait3A_80 = tpu.memref_slice %arg7[%dma_wait3A_79] : memref<20224xf32, #tpu.memory_space<vmem>> -> memref<10112xf32, #tpu.memory_space<vmem>>
      tpu.wait_dma2 semaphore(%run_scoped3A : memref<!tpu.dma_semaphore, #tpu.memory_space<semaphore_mem>>) src(%dma_wait3A_80 : memref<10112xf32, #tpu.memory_space<vmem>>) dst(%dma_wait3A_78 : memref<10112xf32, #tpu.memory_space<hbm>>)
      tpu.yield
    }) : () -> ()
    return
  }
}

module attributes {stable_mosaic.version = 14 : i64} {
  func.func @_mm0_body(%arg0: memref<10112x128xf32, #tpu.memory_space<vmem>>, %arg1: memref<128x64xf32, #tpu.memory_space<vmem>>, %arg2: memref<128x64xf32, #tpu.memory_space<vmem>>, %arg3: memref<64xf32, #tpu.memory_space<vmem>>, %arg4: memref<64xf32, #tpu.memory_space<vmem>>, %arg5: memref<64x10112xi32, #tpu.memory_space<vmem>>) attributes {dimension_semantics = [], scalar_prefetch = 0 : i64, scratch_operands = 0 : i64, tpu.core_type = #tpu.core_type<tc>} {
    %get3A = arith.constant 0 : index
    %get3A_0 = arith.constant 0 : index
    %get3A_1 = vector.load %arg0[%get3A, %get3A_0] : memref<10112x128xf32, #tpu.memory_space<vmem>>, vector<10112x128xf32>
    %get3A_2 = arith.constant 0 : index
    %get3A_3 = arith.constant 0 : index
    %get3A_4 = vector.load %arg1[%get3A_2, %get3A_3] : memref<128x64xf32, #tpu.memory_space<vmem>>, vector<128x64xf32>
    %dot_general3A = arith.constant dense<0.000000e+00> : vector<64x10112xf32>
    %dot_general3A_5 = tpu.matmul %get3A_4, %get3A_1, %dot_general3A {dimension_numbers = #tpu.dot_dimension_numbers<[0], [1], [1], [0], [0, 1, 1, 0], [], []>, transpose_lhs_hint = false} : vector<128x64xf32>, vector<10112x128xf32>, vector<64x10112xf32> -> vector<64x10112xf32>
    %get3A_6 = arith.constant 0 : index
    %get3A_7 = arith.constant 0 : index
    %get3A_8 = vector.load %arg2[%get3A_6, %get3A_7] : memref<128x64xf32, #tpu.memory_space<vmem>>, vector<128x64xf32>
    %dot_general3A_9 = arith.constant dense<0.000000e+00> : vector<64x10112xf32>
    %dot_general3A_10 = tpu.matmul %get3A_8, %get3A_1, %dot_general3A_9 {dimension_numbers = #tpu.dot_dimension_numbers<[0], [1], [1], [0], [0, 1, 1, 0], [], []>, transpose_lhs_hint = false} : vector<128x64xf32>, vector<10112x128xf32>, vector<64x10112xf32> -> vector<64x10112xf32>
    %get3A_11 = arith.constant 0 : index
    %get3A_12 = vector.load %arg3[%get3A_11] : memref<64xf32, #tpu.memory_space<vmem>>, vector<64xf32>
    %broadcast_in_dim3A = vector.shape_cast %get3A_12 : vector<64xf32> to vector<64x1xf32>
    %add3A = vector.broadcast %broadcast_in_dim3A : vector<64x1xf32> to vector<64x10112xf32>
    %add3A_13 = arith.addf %dot_general3A_5, %add3A : vector<64x10112xf32>
    %get3A_14 = arith.constant 0 : index
    %get3A_15 = vector.load %arg4[%get3A_14] : memref<64xf32, #tpu.memory_space<vmem>>, vector<64xf32>
    %broadcast_in_dim3A_16 = vector.shape_cast %get3A_15 : vector<64xf32> to vector<64x1xf32>
    %add3A_17 = vector.broadcast %broadcast_in_dim3A_16 : vector<64x1xf32> to vector<64x10112xf32>
    %add3A_18 = arith.addf %dot_general3A_10, %add3A_17 : vector<64x10112xf32>
    %bitcast_convert_type3A = tpu.bitcast %add3A_13 : vector<64x10112xf32> -> vector<64x10112xi32>
    %bitcast_convert_type3A_19 = tpu.bitcast %add3A_18 : vector<64x10112xf32> -> vector<64x10112xi32>
    %add3A_20 = arith.constant 32768 : i32
    %add3A_21 = vector.broadcast %add3A_20 : i32 to vector<64x10112xi32>
    %add3A_22 = arith.addi %bitcast_convert_type3A, %add3A_21 : vector<64x10112xi32>
    %shift_right_logical3A = arith.constant 16 : i32
    %shift_right_logical3A_23 = vector.broadcast %shift_right_logical3A : i32 to vector<64x10112xi32>
    %shift_right_logical3A_24 = arith.shrui %add3A_22, %shift_right_logical3A_23 : vector<64x10112xi32>
    %add3A_25 = arith.constant 32768 : i32
    %add3A_26 = vector.broadcast %add3A_25 : i32 to vector<64x10112xi32>
    %add3A_27 = arith.addi %bitcast_convert_type3A_19, %add3A_26 : vector<64x10112xi32>
    %and3A = arith.constant -65536 : i32
    %and3A_28 = vector.broadcast %and3A : i32 to vector<64x10112xi32>
    %and3A_29 = arith.andi %add3A_27, %and3A_28 : vector<64x10112xi32>
    %or3A = arith.ori %shift_right_logical3A_24, %and3A_29 : vector<64x10112xi32>
    %swap3A = arith.constant 0 : index
    %swap3A_30 = arith.constant 0 : index
    %swap3A_31 = vector.load %arg5[%swap3A, %swap3A_30] : memref<64x10112xi32, #tpu.memory_space<vmem>>, vector<64x10112xi32>
    tpu.vector_store %arg5[%swap3A, %swap3A_30], %or3A {strides = array<i32>} : memref<64x10112xi32, #tpu.memory_space<vmem>>, vector<64x10112xi32>,
    return
  }
}

module attributes {stable_mosaic.version = 14 : i64} {
  func.func @_mm1_body(%arg0: memref<128x10112xf32, #tpu.memory_space<vmem>>, %arg1: memref<128x32xf32, #tpu.memory_space<vmem>>, %arg2: memref<128x32xf32, #tpu.memory_space<vmem>>, %arg3: memref<32xf32, #tpu.memory_space<vmem>>, %arg4: memref<32xf32, #tpu.memory_space<vmem>>, %arg5: memref<32x10112xi32, #tpu.memory_space<vmem>>) attributes {dimension_semantics = [], scalar_prefetch = 0 : i64, scratch_operands = 0 : i64, tpu.core_type = #tpu.core_type<tc>} {
    %get3A = arith.constant 0 : index
    %get3A_0 = arith.constant 0 : index
    %get3A_1 = vector.load %arg0[%get3A, %get3A_0] : memref<128x10112xf32, #tpu.memory_space<vmem>>, vector<128x10112xf32>
    %max3A = arith.constant 0.000000e+00 : f32
    %max3A_2 = vector.broadcast %max3A : f32 to vector<128x10112xf32>
    %max3A_3 = arith.maximumf %get3A_1, %max3A_2 : vector<128x10112xf32>
    %get3A_4 = arith.constant 0 : index
    %get3A_5 = arith.constant 0 : index
    %get3A_6 = vector.load %arg1[%get3A_4, %get3A_5] : memref<128x32xf32, #tpu.memory_space<vmem>>, vector<128x32xf32>
    %dot_general3A = arith.constant dense<0.000000e+00> : vector<32x10112xf32>
    %dot_general3A_7 = tpu.matmul %get3A_6, %max3A_3, %dot_general3A {dimension_numbers = #tpu.dot_dimension_numbers<[0], [0], [1], [1], [0, 1, 1, 1], [], []>, transpose_lhs_hint = false} : vector<128x32xf32>, vector<128x10112xf32>, vector<32x10112xf32> -> vector<32x10112xf32>
    %get3A_8 = arith.constant 0 : index
    %get3A_9 = arith.constant 0 : index
    %get3A_10 = vector.load %arg2[%get3A_8, %get3A_9] : memref<128x32xf32, #tpu.memory_space<vmem>>, vector<128x32xf32>
    %dot_general3A_11 = arith.constant dense<0.000000e+00> : vector<32x10112xf32>
    %dot_general3A_12 = tpu.matmul %get3A_10, %max3A_3, %dot_general3A_11 {dimension_numbers = #tpu.dot_dimension_numbers<[0], [0], [1], [1], [0, 1, 1, 1], [], []>, transpose_lhs_hint = false} : vector<128x32xf32>, vector<128x10112xf32>, vector<32x10112xf32> -> vector<32x10112xf32>
    %get3A_13 = arith.constant 0 : index
    %get3A_14 = vector.load %arg3[%get3A_13] : memref<32xf32, #tpu.memory_space<vmem>>, vector<32xf32>
    %broadcast_in_dim3A = vector.shape_cast %get3A_14 : vector<32xf32> to vector<32x1xf32>
    %add3A = vector.broadcast %broadcast_in_dim3A : vector<32x1xf32> to vector<32x10112xf32>
    %add3A_15 = arith.addf %dot_general3A_7, %add3A : vector<32x10112xf32>
    %get3A_16 = arith.constant 0 : index
    %get3A_17 = vector.load %arg4[%get3A_16] : memref<32xf32, #tpu.memory_space<vmem>>, vector<32xf32>
    %broadcast_in_dim3A_18 = vector.shape_cast %get3A_17 : vector<32xf32> to vector<32x1xf32>
    %add3A_19 = vector.broadcast %broadcast_in_dim3A_18 : vector<32x1xf32> to vector<32x10112xf32>
    %add3A_20 = arith.addf %dot_general3A_12, %add3A_19 : vector<32x10112xf32>
    %bitcast_convert_type3A = tpu.bitcast %add3A_15 : vector<32x10112xf32> -> vector<32x10112xi32>
    %bitcast_convert_type3A_21 = tpu.bitcast %add3A_20 : vector<32x10112xf32> -> vector<32x10112xi32>
    %add3A_22 = arith.constant 32768 : i32
    %add3A_23 = vector.broadcast %add3A_22 : i32 to vector<32x10112xi32>
    %add3A_24 = arith.addi %bitcast_convert_type3A, %add3A_23 : vector<32x10112xi32>
    %shift_right_logical3A = arith.constant 16 : i32
    %shift_right_logical3A_25 = vector.broadcast %shift_right_logical3A : i32 to vector<32x10112xi32>
    %shift_right_logical3A_26 = arith.shrui %add3A_24, %shift_right_logical3A_25 : vector<32x10112xi32>
    %add3A_27 = arith.constant 32768 : i32
    %add3A_28 = vector.broadcast %add3A_27 : i32 to vector<32x10112xi32>
    %add3A_29 = arith.addi %bitcast_convert_type3A_21, %add3A_28 : vector<32x10112xi32>
    %and3A = arith.constant -65536 : i32
    %and3A_30 = vector.broadcast %and3A : i32 to vector<32x10112xi32>
    %and3A_31 = arith.andi %add3A_29, %and3A_30 : vector<32x10112xi32>
    %or3A = arith.ori %shift_right_logical3A_26, %and3A_31 : vector<32x10112xi32>
    %swap3A = arith.constant 0 : index
    %swap3A_32 = arith.constant 0 : index
    %swap3A_33 = vector.load %arg5[%swap3A, %swap3A_32] : memref<32x10112xi32, #tpu.memory_space<vmem>>, vector<32x10112xi32>
    tpu.vector_store %arg5[%swap3A, %swap3A_32], %or3A {strides = array<i32>} : memref<32x10112xi32, #tpu.memory_space<vmem>>, vector<32x10112xi32>,
    return
  }
}

module attributes {stable_mosaic.version = 14 : i64} {
  func.func @_lsm_body(%arg0: memref<64x10112xf32, #tpu.memory_space<vmem>>, %arg1: memref<10112x40xf32, #tpu.memory_space<vmem>>) attributes {dimension_semantics = [], scalar_prefetch = 0 : i64, scratch_operands = 0 : i64, tpu.core_type = #tpu.core_type<tc>} {
    %get3A = arith.constant 0 : index
    %get3A_0 = arith.constant 0 : index
    %get3A_1 = vector.load %arg0[%get3A, %get3A_0] : memref<64x10112xf32, #tpu.memory_space<vmem>>, vector<64x10112xf32>
    %iota3A = tpu.iota {dimensions = array<i32: 0>} : vector<64x10112xi32>
    %lt3A = arith.constant 40 : i32
    %lt3A_2 = vector.broadcast %lt3A : i32 to vector<64x10112xi32>
    %lt3A_3 = arith.cmpi slt, %iota3A, %lt3A_2 : vector<64x10112xi32>
    %jit3A = arith.constant 0xFF800000 : f32
    %broadcast_in_dim3A = vector.broadcast %jit3A : f32 to vector<64x10112xf32>
    %select_n3A = arith.select %lt3A_3, %get3A_1, %broadcast_in_dim3A : vector<64x10112xi1>, vector<64x10112xf32>
    %reduce_max3A = arith.constant dense<0xFF800000> : vector<10112xf32>
    %reduce_max3A_4 = vector.multi_reduction <maximumf>, %select_n3A, %reduce_max3A [0] : vector<64x10112xf32> to vector<10112xf32>
    %broadcast_in_dim3A_5 = vector.shape_cast %reduce_max3A_4 : vector<10112xf32> to vector<1x10112xf32>
    %sub3A = vector.broadcast %broadcast_in_dim3A_5 : vector<1x10112xf32> to vector<64x10112xf32>
    %sub3A_6 = arith.subf %get3A_1, %sub3A : vector<64x10112xf32>
    %exp3A = math.exp %sub3A_6 : vector<64x10112xf32>
    %jit3A_7 = arith.constant 0.000000e+00 : f32
    %broadcast_in_dim3A_8 = vector.broadcast %jit3A_7 : f32 to vector<64x10112xf32>
    %select_n3A_9 = arith.select %lt3A_3, %exp3A, %broadcast_in_dim3A_8 : vector<64x10112xi1>, vector<64x10112xf32>
    %reduce_sum3A = arith.constant dense<0.000000e+00> : vector<10112xf32>
    %reduce_sum3A_10 = vector.multi_reduction <add>, %select_n3A_9, %reduce_sum3A [0] : vector<64x10112xf32> to vector<10112xf32>
    %broadcast_in_dim3A_11 = vector.shape_cast %reduce_sum3A_10 : vector<10112xf32> to vector<1x10112xf32>
    %sub3A_12 = vector.broadcast %broadcast_in_dim3A_5 : vector<1x10112xf32> to vector<64x10112xf32>
    %sub3A_13 = arith.subf %get3A_1, %sub3A_12 : vector<64x10112xf32>
    %log3A = math.log %broadcast_in_dim3A_11 : vector<1x10112xf32>
    %sub3A_14 = vector.broadcast %log3A : vector<1x10112xf32> to vector<64x10112xf32>
    %sub3A_15 = arith.subf %sub3A_13, %sub3A_14 : vector<64x10112xf32>
    %transpose3A = tpu.transpose %sub3A_15, [1, 0] : vector<64x10112xf32> -> vector<10112x64xf32>
    %slice3A = vector.extract_strided_slice %transpose3A {offsets = [0, 0], sizes = [10112, 40], strides = [1, 1]} : vector<10112x64xf32> to vector<10112x40xf32>
    %swap3A = arith.constant 0 : index
    %swap3A_16 = arith.constant 0 : index
    %swap3A_17 = vector.load %arg1[%swap3A, %swap3A_16] : memref<10112x40xf32, #tpu.memory_space<vmem>>, vector<10112x40xf32>
    tpu.vector_store %arg1[%swap3A, %swap3A_16], %slice3A {strides = array<i32>} : memref<10112x40xf32, #tpu.memory_space<vmem>>, vector<10112x40xf32>,
    return
  }
}

</mosaic_0001>

<sc_bundles>
// kernel: kernel.10.cloned.1.call-start
scs
__scs_entry_jumppad:
0x0: {  	(pc) =	sbr.rel $0x88, $3  }
0x1: {  	(tag) =	ssettag $0x0;
	lr =	simm.s32 $0x1  }
0x2: {  	[smem:$0x3F9A] =	sst lr;
	_ =	strace $0xD0000000  }
0x3: {  	_ = 	snop  }
0x4: {  	_ = 	snop  }
0x5: {  	_ = 	snop  }
0x6: {  	_ = 	snop  }
0x7: {  	_ = 	snop  }
__scs_overlays_trampoline_lowered:
0x8: {  	[smem:$0x3FA9] =	sst s0  }
0x9: {  	[smem:$0x3FAA] =	sst s1  }
0xa: {  	[smem:$0x3FAB] =	sst s2  }
0xb: {  	[smem:$0x3FAC] =	sst s3  }
0xc: {  	[smem:$0x3FAD] =	sst s4  }
0xd: {  	[smem:$0x3FAE] =	sst s5  }
0xe: {  	[smem:$0x3FAF] =	sst s6  }
0xf: {  	[smem:$0x3FB0] =	sst s7  }
0x10: {  	[smem:$0x3FB1] =	sst s8  }
0x11: {  	[smem:$0x3FB2] =	sst s9;
	s0 =	simm.s32 @!p0 $0x0  }
0x12: {  	s1 =	sld [smem:$0x3F98];
	s0 =	simm.s32 @p0 $0x1  }
0x13: {  	[smem:$0x3FB3] =	sst s0;
	s0 =	simm.s32 @!p1 $0x0  }
0x14: {  	s2 =	sld [smem:$0x3F97];
	s0 =	simm.s32 @p1 $0x1  }
0x15: {  	[smem:$0x3FB4] =	sst s0;
	s0 =	simm.s32 @!p2 $0x0  }
0x16: {  	s3 =	sld [smem:$0x3FDB];
	s0 =	simm.s32 @p2 $0x1  }
0x17: {  	s4 =	simm.s32 $0x1BF5;
	[smem:$0x3FB6] =	sst s0  }
0x18: {  	s0 =	sld [smem:$0x3F99];
	_ =	swait.ge [sflag:s4], $0x0  }
0x19: {  	s7 =	sld [smem:$0x3F9A]  }
0x1a: {  	s8 =	sadd.s32 $0xFFFFE003, lr  }
0x1b: {  	s9 =	sadd.s32 $0xFFFFFEF7, lr;
	s5 =	simm.s32 $0xFFFFFFFF;
	p2 =	slt.u32 s8, $0xFFFFF086  }
0x1c: {  	p1 =	slt.u32 s9, $0xF7A;
	s5 =	simm.s32 @!p2 $0x0  }
0x1d: {  	s5 =	simm.s32 @p1 $0x1;
	p0 =	seq.s32 s7, s2  }
0x1e: {  	s7 =	smul.u32 @!p0 $0xF7A, s2;
	p2 =	seq.s32 @!p0 s5, $0x0  }
0x1f: {  	s9 =	smul.u32 $0xF7A, s1;
	s8 =	simm.s32 @!p0 $0x1BF5;
	p2 =	por !p2, p0  }
0x20: {  	[sflag:s8] =	ssyncset.s32 @!p0 $0xFFFFF086;
	s6 =	sadd.s32 @!p0 s3, s7;
	s7 =	simm.s32 @!p0 $0x108  }
0x21: {  	s3 =	sadd.s32 s3, s9;
	s6 =	sadd.s32 @!p0 $0x88, s6;
	s7 =	simm.s32 @p2 $0x1082  }
0x22: {  	[simem:s7], [sflag:s8] =	dma.local @!p0 [hbm:s6], $0xF7A  }
0x23: {  	s9 =	sor.u32 $0xD0000000, s2;
	s6 =	simm.s32 $0x108;
	_ =	swait.ge @!p0 [sflag:s8], $0x0  }
0x24: {  	s3 =	sadd.s32 $0x88, s3;
	s6 =	simm.s32 @!p1 $0x1082;
	[sflag:s4] =	ssyncset.s32 $0xFFFFF086  }
0x25: {  	[simem:s6], [sflag:s4] =	dma.local [hbm:s3], $0xF7A  }
0x26: {  	[smem:$0x3F9A] =	sst s1;
	(tag) =	ssettag s2;
	_ =	strace s9  }
0x27: {  	s1 =	sld [smem:$0x3FAA]  }
0x28: {  	s2 =	sld [smem:$0x3FAB]  }
0x29: {  	s4 =	sld [smem:$0x3FAD]  }
0x2a: {  	p0 =	seq.s32 s5, $0x0;
	s5 =	sld [smem:$0x3FAE]  }
0x2b: {  	s6 =	sld [smem:$0x3FAF]  }
0x2c: {  	s7 =	sld [smem:$0x3FB0]  }
0x2d: {  	s3 =	simm.s32 $0x108;
	s8 =	sld [smem:$0x3FB1]  }
0x2e: {  	s3 =	simm.s32 @!p0 $0x1082;
	s9 =	sld [smem:$0x3FB2]  }
0x2f: {  	lr =	sadd.s32 s0, s3;
	s0 =	sld [smem:$0x3FA9]  }
0x30: {  	s3 =	sld [smem:$0x3FAC]  }
0x31: {  	[smem:$0x3FB5] =	sst s10  }
0x32: {  	s10 =	sld [smem:$0x3FB3];
	_ =	sdelay $0x3  }
0x33: {  	p0 =	seq.s32 s10, $0x1;
	s10 =	sld [smem:$0x3FB5];
	_ =	sdelay $0x3  }
0x34: {  	[smem:$0x3FB5] =	sst s10  }
0x35: {  	s10 =	sld [smem:$0x3FB4];
	_ =	sdelay $0x3  }
0x36: {  	p1 =	seq.s32 s10, $0x1;
	s10 =	sld [smem:$0x3FB5];
	_ =	sdelay $0x3  }
0x37: {  	[smem:$0x3FB5] =	sst s10  }
0x38: {  	s10 =	sld [smem:$0x3FB6]  }
0x39: {  	_ = 	snop;
	(pc) =	sbr.ind lr, $3  }
0x3a: {  	_ = 	snop  }
0x3b: {  	_ = 	snop  }
0x3c: {  	p2 =	seq.s32 s10, $0x1;
	s10 =	sld [smem:$0x3FB5]  }
0x3d: {  	_ =	shalt  }
0x3e: {  	_ =	shalt  }
0x3f: {  	_ =	shalt  }
0x40: {  	_ =	shalt  }
0x41: {  	_ =	shalt  }
0x42: {  	_ =	shalt  }
0x43: {  	_ =	shalt  }
0x44: {  	_ =	shalt  }
0x45: {  	_ =	shalt  }
0x46: {  	_ =	shalt  }
0x47: {  	_ =	shalt  }
0x48: {  	_ =	shalt  }
0x49: {  	_ =	shalt  }
0x4a: {  	_ =	shalt  }
0x4b: {  	_ =	shalt  }
0x4c: {  	_ =	shalt  }
0x4d: {  	_ =	shalt  }
0x4e: {  	_ =	shalt  }
0x4f: {  	_ =	shalt  }
0x50: {  	_ =	shalt  }
0x51: {  	_ =	shalt  }
0x52: {  	_ =	shalt  }
0x53: {  	_ =	shalt  }
0x54: {  	_ =	shalt  }
0x55: {  	_ =	shalt  }
0x56: {  	_ =	shalt  }
0x57: {  	_ =	shalt  }
0x58: {  	_ =	shalt  }
0x59: {  	_ =	shalt  }
0x5a: {  	_ =	shalt  }
0x5b: {  	_ =	shalt  }
0x5c: {  	_ =	shalt  }
0x5d: {  	_ =	shalt  }
0x5e: {  	_ =	shalt  }
0x5f: {  	_ =	shalt  }
0x60: {  	_ =	shalt  }
0x61: {  	_ =	shalt  }
0x62: {  	_ =	shalt  }
0x63: {  	_ =	shalt  }
0x64: {  	_ =	shalt  }
0x65: {  	_ =	shalt  }
0x66: {  	_ =	shalt  }
0x67: {  	_ =	shalt  }
0x68: {  	_ =	shalt  }
0x69: {  	_ =	shalt  }
0x6a: {  	_ =	shalt  }
0x6b: {  	_ =	shalt  }
0x6c: {  	_ =	shalt  }
0x6d: {  	_ =	shalt  }
0x6e: {  	_ =	shalt  }
0x6f: {  	_ =	shalt  }
0x70: {  	_ =	shalt  }
0x71: {  	_ =	shalt  }
0x72: {  	_ =	shalt  }
0x73: {  	_ =	shalt  }
0x74: {  	_ =	shalt  }
0x75: {  	_ =	shalt  }
0x76: {  	_ =	shalt  }
0x77: {  	_ =	shalt  }
0x78: {  	_ =	shalt  }
0x79: {  	_ =	shalt  }
0x7a: {  	_ =	shalt  }
0x7b: {  	_ =	shalt  }
0x7c: {  	_ =	shalt  }
0x7d: {  	_ =	shalt  }
0x7e: {  	_ =	shalt  }
0x7f: {  	_ =	shalt  }
0x80: {  	_ =	shalt  }
0x81: {  	_ =	shalt  }
0x82: {  	_ =	shalt  }
0x83: {  	_ =	shalt  }
0x84: {  	_ =	shalt  }
0x85: {  	_ =	shalt  }
0x86: {  	_ =	shalt  }
0x87: {  	_ =	shalt  }
.Lfunc_end0:
.L_simem_size_0:
called_computation.1_lowered:
.L_overlay_start_0:
0x88: {  	s2 =	sld [smem:$0x3FD9]  }
0x89: {  	s3 =	sld [smem:$0x3FFE];
	_ =	sdelay $0x1  }
0x8a: {  	s1 =	srdreg.scid  }
0x8b: {  	s0 =	sand.u32 $0x1, s1  }
0x8c: {  	s17 =	sshll.u32 s0, $0xA;
	s2 =	sadd.s32 s3, s2  }
0x8d: {  	s2 =	sadd.s32 s2, s17  }
0x8e: {  	[smem:$0x3FC1] =	sst s2  }
0x8f: {  	_ = 	snop  }
0x90: {  	s2 =	sld [smem:$0x3FC7]  }
0x91: {  	s18 =	sld [smem:$0x3FD0];
	(tm) =	ssettm $0x1  }
0x92: {  	s4 =	sld [smem:$0x3FFB];
	_ =	sdelay $0x3  }
0x93: {  	_ =	strace s4  }
0x94: {  	s4 =	sld [smem:$0x3FFC];
	_ =	sdelay $0x3  }
0x95: {  	_ =	strace s4  }
0x96: {  	s4 =	sld [smem:$0x3FFD];
	_ =	sdelay $0x3  }
0x97: {  	_ =	strace s4  }
0x98: {  	_ =	strace $0x8FFFFFFF  }
0x99: {  	s19 =	sld [smem:$0x3FDB];
	_ =	sdelay $0x1  }
0x9a: {  	s5 =	simm.s32 $_scs_section_size  }
0x9b: {  	s6 =	simm.s32 $_size__tile_overlayer_lowered;
	s7 =	simm.s32 $_tile_overlayer_lowered  }
0x9c: {  	s22 =	simm.s32 $0x1BFF;
	s21 =	sshll.u32 s7, $0x1;
	s4 =	sadd.s32 s5, s19  }
0x9d: {  	s8 =	simm.s32 $0x0;
	s20 =	sshll.u32 s6, $0x1;
	s6 =	sadd.s32 s21, s4  }
0x9e: {  	[timem:s8], [sflag:s22] =	dma.local [hbm:s6], s20  }
0x9f: {  	_ =	swait.ge [sflag:s22], s20  }
0xa0: {  	s5 =	ssub.s32 $0x0, s20;
	[sflag:s22] =	ssyncset.done $0x0  }
0xa1: {  	[sflag:s22] =	ssyncadd.s32 s5;
	_ =	sdelay $0x1  }
0xa2: {  	s23 =	simm.s32 $0x1B8B  }
0xa3: {  	_ =	swait.ge [sflag:s23], $0x1  }
0xa4: {  	[sflag:s23] =	ssyncset.done $0x0  }
0xa5: {  	s25 =	simm.s32 $0x1B8E;
	s24 =	sld [smem:$0x3FFE];
	[sflag:s23] =	ssyncadd.s32 $0xFFFFFFFF  }
0xa6: {  	s26 =	simm.s32 $execute0_lowered;
	[smem:$0x3FD2] =	sst s25  }
0xa7: {  	s6 =	sshll.u32 s26, $0x1;
	_ =	strace $0x80000049;
	[dreg:$0x1] =	wrdreg $0xFFFFFFFF  }
0xa8: {  	s28 =	simm.s32 $_size_execute0_lowered;
	s4 =	sadd.s32 s4, s6;
	[dreg:$0x0] =	wrdreg $0x0  }
0xa9: {  	s6 =	sshll.u32 s28, $0x1;
	[dreg:$0x2] =	wrdreg s4  }
0xaa: {  	[dreg:$0x3] =	wrdreg s6  }
0xab: {  	[dreg:$0x4] =	wrdreg $0xC0  }
0xac: {  	_ =	task [dreg:s8], $0x5FFFF  }
0xad: {  	[dreg:$0x1] =	wrdreg $0xFFFFFFFF  }
0xae: {  	[dreg:$0x0] =	wrdreg $0x60  }
0xaf: {  	[dreg:$0x2] =	wrdreg s18  }
0xb0: {  	[dreg:$0x3] =	wrdreg s24  }
0xb1: {  	[dreg:$0x4] =	wrdreg s2  }
0xb2: {  	[dreg:$0x5] =	wrdreg $0x9  }
0xb3: {  	_ =	task.clear_ibuf [dreg:s8], $0x6FFFF;
	_ =	strace $0x90000049  }
0xb4: {  	s29 =	simm.s32 $0x9;
	_ =	strace $0x8000004B  }
0xb5: {  	_ =	swait.ge [sflag:s29], $0x1  }
0xb6: {  	[sflag:s29] =	ssyncadd.s32 $0xFFFFFFFF  }
0xb7: {  	_ =	strace $0x9000004B  }
0xb8: {  	_ =	sfence  }
0xb9: {  	s30 =	sld [smem:$0x0];
	_ =	sdelay $0x2  }
0xba: {  	s31 =	sshll.u32 s1, $0xD;
	s1 =	sshrl.u32 s1, $0x2  }
0xbb: {  	s3 =	sand.u32 $0x4000, s31;
	s1 =	sadd.s32 s1, s30  }
0xbc: {  	s0 =	sor.u32 s3, s0;
	s1 =	sshll.u32 s1, $0x11  }
0xbd: {  	s0 =	sor.u32 s1, s0  }
0xbe: {  	s0 =	sadd.s32 $0x8F2B, s0  }
0xbf: {  	[sflag:s0] =	ssyncadd.remote.s32 $0x1  }
0xc0: {  	_ =	sfence.sel $0xFFFF  }
0xc1: {  	[dreg:$0x0] =	wrdreg $0xFFFFFFFF;
	(pc) =	sbr.abs _section_cstart, $3  }
0xc2: {  	[dreg:$0x1] =	wrdreg $0xFFFFFFFF  }
0xc3: {  	_ =	task.clear_ibuf [dreg:s8], $0x2FFFF;
	_ =	strace $0x9FFFFFFF  }
0xc4: {  	(tm) =	ssettm $0x7FFFFFFF  }
0xc5: {  	_ =	shalt  }
tec
execute0_lowered:
.L_overlay_start_1:
0x0: {  	(tag) =	ssettag $0x1  }
0x1: {  	s0 =	rddreg [dreg:$0x0]  }
0x2: {  	s3 =	rddreg [dreg:$0x1]  }
0x3: {  	s1 =	rddreg [dreg:$0x2]  }
0x4: {  	s2 =	simm.s32 $0x0;
	s5 =	srdreg.scid;
	s8 =	stileid.u32  }
0x5: {  	s11 =	simm.s32 $0x400;
	s12 =	simm.s32 $0x4F00;
	s14 =	simm.s32 $0x8680  }
0x6: {  	s15 =	simm.s32 $0x9680;
	s16 =	simm.s32 $0x1;
	s17 =	simm.s32 $0x7E50  }
0x7: {  	s18 =	simm.s32 $0x8E50;
	s19 =	simm.s32 $0x9E50;
	s20 =	simm.s32 $0x2  }
0x8: {  	s21 =	simm.s32 $0x3;
	s22 =	simm.s32 $0x4;
	s23 =	simm.s32 $0x2780  }
0x9: {  	s24 =	simm.s32 $0x0;
	s25 =	simm.s32 $0x0;
	[smem:$0x7FF] =	sst s2  }
0xa: {  	s4 =	sadd.s32 $0xA600, s3;
	s6 =	sand.u32 $0x1, s5;
	s7 =	sshrl.u32 s8, $0x1  }
0xb: {  	s30 =	sshll.u32 s8, $0x1;
	s8 =	sshrl.u32 s8, $0x2;
	s7 =	smul.u32 $0x13C00, s7  }
0xc: {  	_ =	strace $0x8000004A;
	s5 =	sor.u32 s6, s30;
	s8 =	smul.u32 $0x13C00, s8  }
0xd: {  	s6 =	ssub.s32 $0x2, s6;
	s9 =	sshll.u32 s5, $0x8;
	s10 =	sshll.u32 s5, $0x7  }
0xe: {  	s5 =	sadd.s32 $0x800, s3;
	s9 =	sand.u32 $0x300, s9;
	s10 =	sand.u32 $0x380, s10  }
0xf: {  	s31 =	sshrl.u32 s6, $0x1;
	s7 =	sor.u32 s7, s9;
	s8 =	sor.u32 s8, s10  }
0x10: {  	s9 =	ssub.s32 s6, s31;
	s10 =	simm.s32 $0x80;
	s7 =	sshrl.u32 s7, $0x3  }
0x11: {  	s8 =	sshrl.u32 s8, $0x3;
	s9 =	smax.u32 s9, $0x1;
	s3 =	sadd.s32 s7, s3  }
0x12: {  	v0 =	vimm.f32 $0.0e+00;
	s6 =	sadd.s32 s0, s8;
	s7 =	sadd.s32 $0x14400, s3;
	s8 =	sadd.s32 $0x14410, s3  }
.LBB2_1:
0x13: {  	[tilespmem:s12], [sflag:$0x1] =	stream.strided.gather [hbm4b:s6+s10], $0x2780, s11, s10, $0x38;
	[tilespmem:$0xA680] =	vst v63  }
0x14: {  	s0 =	simm.s32 $0x7680  }
0x15: {  	[tilespmem:s0], [sflag:$0x2] =	stream.linear.gather [hbm4b:s4+s2], $0x7D0, $0x38;
	[tilespmem:$0xA680] =	vst v63  }
0x16: {  	_ = 	snop  }
0x17: {  	[tilespmem:s14], [sflag:$0x2] =	stream.linear.gather [hbm4b:s5+s2], $0x7D0, $0x38;
	[tilespmem:$0xA680] =	vst v63  }
0x18: {  	s0 =	simm.s32 $0x40  }
0x19: {  	[tilespmem:s15], [sflag:$0x2] =	stream.linear.gather [hbm4b:s1+s2], $0x7D0, $0x38;
	[tilespmem:$0xA680] =	vst v63  }
0x1a: {  	[tilespmem:s0+$0xFFFFFFC0] =	vst v0  }
0x1b: {  	[tilespmem:s0+$0x30] =	vst v0  }
0x1c: {  	[tilespmem:s0+$0x20] =	vst v0  }
0x1d: {  	[tilespmem:s0+$0x10] =	vst v0  }
0x1e: {  	[tilespmem:s0+$0x0] =	vst v0  }
0x1f: {  	[tilespmem:s0+$0xFFFFFFF0] =	vst v0  }
0x20: {  	s3 =	simm.s32 $0x0;
	[tilespmem:s0+$0xFFFFFFE0] =	vst v0  }
.LBB2_2:
0x21: {  	s3 =	sadd.s32 $0x8, s3;
	[tilespmem:s0+$0xFFFFFFD0] =	vst v0;
	s0 =	sadd.s32 $0x80, s0  }
0x22: {  	[tilespmem:s0+$0xFFFFFFC0] =	vst v0;
	p0 =	slt.u32 s3, $0x4E8  }
0x23: {  	[tilespmem:s0+$0x30] =	vst v0  }
.Ltmp0:
0x24: {  	[tilespmem:s0+$0x20] =	vst v0;
	(pc) =	sbr.rel @p0 .LBB2_2-.Ltmp0, $4  }
0x25: {  	[tilespmem:s0+$0x10] =	vst v0  }
0x26: {  	[tilespmem:s0+$0x0] =	vst v0  }
0x27: {  	[tilespmem:s0+$0xFFFFFFF0] =	vst v0  }
0x28: {  	[tilespmem:s0+$0xFFFFFFE0] =	vst v0  }
0x29: {  	[tilespmem:s0+$0xFFFFFFD0] =	vst v0  }
0x2a: {  	_ =	swait.ge [sflag:s16], $0x2780  }
0x2b: {  	[sflag:s16] =	ssyncset.done $0x0  }
0x2c: {  	s26 =	simm.s32 $0x0;
	[sflag:s16] =	ssyncadd.s32 $0xFFFFD880  }
.LBB2_5:
0x2d: {  	s28 =	smul.u32 $0xFA0, s26;
	_ =	sdelay $0x1  }
0x2e: {  	s0 =	sshrl.u32 s28, $0x3  }
0x2f: {  	s0 =	sadd.s32 $0xFA, s0  }
0x30: {  	s3 =	sadd.s32 s4, s0  }
0x31: {  	[tilespmem:s17], [sflag:$0x3] =	stream.linear.gather [hbm4b:s3+s2], $0x7D0, $0x38;
	[tilespmem:$0xA680] =	vst v63  }
0x32: {  	s13 =	sadd.s32 s5, s0  }
0x33: {  	[tilespmem:s18], [sflag:$0x3] =	stream.linear.gather [hbm4b:s13+s2], $0x7D0, $0x38;
	[tilespmem:$0xA680] =	vst v63  }
0x34: {  	s0 =	sadd.s32 s1, s0  }
0x35: {  	[tilespmem:s19], [sflag:$0x3] =	stream.linear.gather [hbm4b:s0+s2], $0x7D0, $0x38;
	[tilespmem:$0xA680] =	vst v63  }
0x36: {  	_ =	swait.ge [sflag:s20], $0x7D0  }
0x37: {  	[sflag:s20] =	ssyncset.done $0x0  }
0x38: {  	[sflag:s20] =	ssyncadd.s32 $0xFFFFF830  }
0x39: {  	_ =	swait.ge [sflag:s20], $0x7D0  }
0x3a: {  	[sflag:s20] =	ssyncset.done $0x0  }
0x3b: {  	[sflag:s20] =	ssyncadd.s32 $0xFFFFF830  }
0x3c: {  	_ =	swait.ge [sflag:s20], $0x7D0  }
0x3d: {  	[sflag:s20] =	ssyncset.done $0x0  }
0x3e: {  	s13 =	simm.s32 $0x76C0;
	[sflag:s20] =	ssyncadd.s32 $0xFFFFF830  }
0x3f: {  	v1 =	vld [tilespmem:s13+$0x30]  }
0x40: {  	v2 =	vld [tilespmem:s13+$0xFFFFFFD0]  }
0x41: {  	v3 =	vld [tilespmem:s13+$0xFFFFFFE0]  }
0x42: {  	v4 =	vld [tilespmem:s13+$0xFFFFFFF0]  }
0x43: {  	v5 =	vld [tilespmem:s13+$0x0]  }
0x44: {  	v6 =	vld [tilespmem:s13+$0x10]  }
0x45: {  	s29 =	simm.s32 $0x86C0;
	v7 =	vld [tilespmem:s13+$0x20]  }
0x46: {  	v8 =	vld [tilespmem:s29+$0x30]  }
0x47: {  	s30 =	simm.s32 $0x96C0;
	v9 =	vld [tilespmem:s13+$0xFFFFFFC0]  }
0x48: {  	v10 =	vld [tilespmem:s30+$0x30]  }
0x49: {  	v50 =	vld [tilespmem:s30+$0xFFFFFFC0]  }
0x4a: {  	v51 =	vld [tilespmem:s30+$0xFFFFFFD0]  }
0x4b: {  	v52 =	vld [tilespmem:s30+$0xFFFFFFE0]  }
0x4c: {  	v53 =	vld [tilespmem:s30+$0xFFFFFFF0]  }
0x4d: {  	v54 =	vld [tilespmem:s30+$0x0]  }
0x4e: {  	v13 =	vld [tilespmem:s30+$0x10]  }
0x4f: {  	v14 =	vld [tilespmem:s29+$0xFFFFFFC0]  }
0x50: {  	v15 =	vld [tilespmem:s29+$0xFFFFFFD0]  }
0x51: {  	v16 =	vld [tilespmem:s30+$0x20]  }
0x52: {  	v17 =	vld [tilespmem:s29+$0xFFFFFFE0]  }
0x53: {  	v1 =	vld.idx.msk [tilespmem:v1+s12+$0x0], $0xffff  }
0x54: {  	v18 =	vld [tilespmem:s29+$0xFFFFFFF0]  }
0x55: {  	v20 =	vld [tilespmem:s29+$0x0]  }
0x56: {  	v23 =	vld [tilespmem:s29+$0x10]  }
0x57: {  	v25 =	vld [tilespmem:s29+$0x20];
	v11 =	vadd.s32 $0x2780, v8  }
0x58: {  	v2 =	vld.idx.msk [tilespmem:v2+s12+$0x0], $0xffff;
	v12 =	vshll.u32 v1, $0x10  }
0x59: {  	v3 =	vld.idx.msk [tilespmem:v3+s12+$0x0], $0xffff;
	v1 =	vand.u32 $0xFFFF0000, v1;
	v12 =	vmul.f32 v12, v10  }
0x5a: {  	v5 =	vld.idx.msk [tilespmem:v5+s12+$0x0], $0xffff;
	v1 =	vmul.f32 v1, v10  }
0x5b: {  	[tilespmem:v8+s25+$0x0] =	vst.idx.add.f32.msk $0xffff, v12  }
0x5c: {  	[tilespmem:v11+s25+$0x0] =	vst.idx.add.f32.msk $0xffff, v1  }
0x5d: {  	v1 =	vld.idx.msk [tilespmem:v9+s12+$0x0], $0xffff  }
0x5e: {  	v4 =	vld.idx.msk [tilespmem:v4+s12+$0x0], $0xffff;
	v22 =	vshll.u32 v2, $0x10  }
0x5f: {  	v55 =	vadd.s32 $0x2780, v17;
	v6 =	vld.idx.msk [tilespmem:v6+s12+$0x0], $0xffff;
	v56 =	vshll.u32 v3, $0x10;
	v22 =	vmul.f32 v22, v51  }
0x60: {  	v7 =	vld.idx.msk [tilespmem:v7+s12+$0x0], $0xffff;
	v60 =	vshll.u32 v5, $0x10;
	v57 =	vmul.f32 v56, v52  }
0x61: {  	v21 =	vadd.s32 $0x2780, v14;
	v3 =	vand.u32 $0xFFFF0000, v3;
	v61 =	vmul.f32 v60, v54;
	[tilespmem:v15+s25+$0x0] =	vst.idx.add.f32.msk $0xffff, v22  }
0x62: {  	v24 =	vadd.s32 $0x2780, v15;
	v3 =	vmul.f32 v3, v52;
	[tilespmem:v17+s25+$0x0] =	vst.idx.add.f32.msk $0xffff, v57;
	v19 =	vshll.u32 v1, $0x10  }
0x63: {  	v59 =	vadd.s32 $0x2780, v20;
	[tilespmem:v20+s25+$0x0] =	vst.idx.add.f32.msk $0xffff, v61;
	v1 =	vand.u32 $0xFFFF0000, v1;
	v19 =	vmul.f32 v19, v50  }
0x64: {  	v2 =	vand.u32 $0xFFFF0000, v2;
	[tilespmem:v55+s25+$0x0] =	vst.idx.add.f32.msk $0xffff, v3;
	v1 =	vmul.f32 v1, v50  }
0x65: {  	v58 =	vadd.s32 $0x2780, v18;
	v2 =	vmul.f32 v2, v51;
	v3 =	vand.u32 $0xFFFF0000, v5;
	[tilespmem:v14+s25+$0x0] =	vst.idx.add.f32.msk $0xffff, v19  }
0x66: {  	v3 =	vmul.f32 v3, v54;
	[tilespmem:v21+s25+$0x0] =	vst.idx.add.f32.msk $0xffff, v1;
	v1 =	vshll.u32 v4, $0x10  }
0x67: {  	[tilespmem:v24+s25+$0x0] =	vst.idx.add.f32.msk $0xffff, v2;
	v2 =	vand.u32 $0xFFFF0000, v4;
	v1 =	vmul.f32 v1, v53  }
0x68: {  	v62 =	vadd.s32 $0x2780, v23;
	v63 =	vshll.u32 v7, $0x10;
	v2 =	vmul.f32 v2, v53;
	[tilespmem:v59+s25+$0x0] =	vst.idx.add.f32.msk $0xffff, v3  }
0x69: {  	v3 =	vmul.f32 v63, v16;
	[tilespmem:v18+s25+$0x0] =	vst.idx.add.f32.msk $0xffff, v1;
	v1 =	vshll.u32 v6, $0x10  }
0x6a: {  	[tilespmem:v58+s25+$0x0] =	vst.idx.add.f32.msk $0xffff, v2;
	v2 =	vand.u32 $0xFFFF0000, v6;
	v1 =	vmul.f32 v1, v13  }
0x6b: {  	[tilespmem:v25+s25+$0x0] =	vst.idx.add.f32.msk $0xffff, v3;
	v2 =	vmul.f32 v2, v13  }
0x6c: {  	[tilespmem:v23+s25+$0x0] =	vst.idx.add.f32.msk $0xffff, v1;
	v1 =	vand.u32 $0xFFFF0000, v7  }
0x6d: {  	s31 =	simm.s32 $0x0;
	s3 =	simm.s32 $0x0;
	s0 =	simm.s32 $0x7740;
	[tilespmem:v62+s25+$0x0] =	vst.idx.add.f32.msk $0xffff, v2;
	v1 =	vmul.f32 v1, v16;
	v2 =	vadd.s32 $0x2780, v25  }
.LBB2_6:
0x6e: {  	v3 =	vld [tilespmem:s0+$0x30]  }
0x6f: {  	s31 =	sadd.s32 $0x8, s31;
	v4 =	vld [tilespmem:s0+$0xFFFFFFD0]  }
0x70: {  	p0 =	slt.u32 s31, $0x70;
	v5 =	vld [tilespmem:s0+$0xFFFFFFE0]  }
0x71: {  	v6 =	vld [tilespmem:s0+$0xFFFFFFF0]  }
0x72: {  	v7 =	vld [tilespmem:s0+$0x0]  }
0x73: {  	v8 =	vld [tilespmem:s0+$0x10]  }
0x74: {  	s29 =	sadd.s32 $0x80, s29;
	v9 =	vld [tilespmem:s0+$0x20]  }
0x75: {  	v10 =	vld [tilespmem:s29+$0x30]  }
0x76: {  	v3 =	vld.idx.msk [tilespmem:v3+s12+$0x0], $0xffff  }
0x77: {  	s30 =	sadd.s32 $0x80, s30;
	v11 =	vld [tilespmem:s0+$0xFFFFFFC0]  }
0x78: {  	v12 =	vld [tilespmem:s30+$0x30]  }
0x79: {  	v4 =	vld.idx.msk [tilespmem:v4+s12+$0x0], $0xffff  }
0x7a: {  	v5 =	vld.idx.msk [tilespmem:v5+s12+$0x0], $0xffff  }
0x7b: {  	v13 =	vadd.s32 $0x2780, v10;
	v6 =	vld.idx.msk [tilespmem:v6+s12+$0x0], $0xffff  }
0x7c: {  	v14 =	vshll.u32 v3, $0x10;
	v7 =	vld.idx.msk [tilespmem:v7+s12+$0x0], $0xffff  }
0x7d: {  	v3 =	vand.u32 $0xFFFF0000, v3;
	v8 =	vld.idx.msk [tilespmem:v8+s12+$0x0], $0xffff;
	v14 =	vmul.f32 v14, v12  }
0x7e: {  	s13 =	simm.s32 $0x0;
	v3 =	vmul.f32 v3, v12;
	v9 =	vld.idx.msk [tilespmem:v9+s12+$0x0], $0xffff  }
0x7f: {  	v12 =	vshll.u32 v4, $0x10;
	v4 =	vand.u32 $0xFFFF0000, v4;
	[tilespmem:v10+s13+$0x0] =	vst.idx.add.f32.msk $0xffff, v14  }
0x80: {  	v10 =	vshll.u32 v5, $0x10;
	v5 =	vand.u32 $0xFFFF0000, v5;
	[tilespmem:v13+s13+$0x0] =	vst.idx.add.f32.msk $0xffff, v3  }
0x81: {  	v3 =	vld.idx.msk [tilespmem:v11+s12+$0x0], $0xffff;
	v11 =	vshll.u32 v6, $0x10;
	v6 =	vand.u32 $0xFFFF0000, v6  }
0x82: {  	v14 =	vshll.u32 v7, $0x10;
	v7 =	vand.u32 $0xFFFF0000, v7;
	v13 =	vld [tilespmem:s30+$0xFFFFFFC0]  }
0x83: {  	v16 =	vshll.u32 v8, $0x10;
	v8 =	vand.u32 $0xFFFF0000, v8;
	v15 =	vld [tilespmem:s30+$0xFFFFFFD0]  }
0x84: {  	v18 =	vshll.u32 v9, $0x10;
	v9 =	vand.u32 $0xFFFF0000, v9;
	v17 =	vld [tilespmem:s30+$0xFFFFFFE0]  }
0x85: {  	v19 =	vld [tilespmem:s30+$0xFFFFFFF0]  }
0x86: {  	v20 =	vld [tilespmem:s30+$0x0]  }
0x87: {  	v21 =	vshll.u32 v3, $0x10;
	v3 =	vand.u32 $0xFFFF0000, v3;
	v22 =	vld [tilespmem:s30+$0x10]  }
0x88: {  	v21 =	vmul.f32 v21, v13;
	v3 =	vmul.f32 v3, v13;
	v13 =	vld [tilespmem:s30+$0x20]  }
0x89: {  	v12 =	vmul.f32 v12, v15;
	v4 =	vmul.f32 v4, v15;
	v23 =	vld [tilespmem:s29+$0xFFFFFFC0]  }
0x8a: {  	v10 =	vmul.f32 v10, v17;
	v5 =	vmul.f32 v5, v17;
	v15 =	vld [tilespmem:s29+$0xFFFFFFD0]  }
0x8b: {  	v11 =	vmul.f32 v11, v19;
	v6 =	vmul.f32 v6, v19;
	v17 =	vld [tilespmem:s29+$0xFFFFFFE0]  }
0x8c: {  	v14 =	vmul.f32 v14, v20;
	v7 =	vmul.f32 v7, v20;
	v19 =	vld [tilespmem:s29+$0xFFFFFFF0]  }
0x8d: {  	v16 =	vmul.f32 v16, v22;
	v8 =	vmul.f32 v8, v22;
	v20 =	vld [tilespmem:s29+$0x0]  }
0x8e: {  	v18 =	vmul.f32 v18, v13;
	v9 =	vmul.f32 v9, v13;
	v22 =	vadd.s32 $0x2780, v23;
	v24 =	vld [tilespmem:s29+$0x10]  }
0x8f: {  	v13 =	vadd.s32 $0x2780, v15;
	v25 =	vld [tilespmem:s29+$0x20]  }
0x90: {  	v26 =	vadd.s32 $0x2780, v17;
	[tilespmem:v2+s3+$0x0] =	vst.idx.add.f32.msk $0xffff, v1;
	v1 =	vmov v9;
	s3 =	smov.u32 s13  }
0x91: {  	[tilespmem:v23+s3+$0x0] =	vst.idx.add.f32.msk $0xffff, v21;
	v9 =	vadd.s32 $0x2780, v19  }
0x92: {  	[tilespmem:v15+s3+$0x0] =	vst.idx.add.f32.msk $0xffff, v12;
	v12 =	vadd.s32 $0x2780, v20  }
0x93: {  	[tilespmem:v22+s3+$0x0] =	vst.idx.add.f32.msk $0xffff, v3;
	v3 =	vadd.s32 $0x2780, v24  }
0x94: {  	[tilespmem:v13+s3+$0x0] =	vst.idx.add.f32.msk $0xffff, v4;
	v2 =	vadd.s32 $0x2780, v25  }
0x95: {  	[tilespmem:v17+s3+$0x0] =	vst.idx.add.f32.msk $0xffff, v10  }
0x96: {  	[tilespmem:v26+s3+$0x0] =	vst.idx.add.f32.msk $0xffff, v5  }
0x97: {  	[tilespmem:v19+s3+$0x0] =	vst.idx.add.f32.msk $0xffff, v11  }
0x98: {  	[tilespmem:v9+s3+$0x0] =	vst.idx.add.f32.msk $0xffff, v6  }
.Ltmp1:
0x99: {  	[tilespmem:v20+s3+$0x0] =	vst.idx.add.f32.msk $0xffff, v14;
	(pc) =	sbr.rel @p0 .LBB2_6-.Ltmp1, $4  }
0x9a: {  	[tilespmem:v12+s3+$0x0] =	vst.idx.add.f32.msk $0xffff, v7  }
0x9b: {  	[tilespmem:v24+s3+$0x0] =	vst.idx.add.f32.msk $0xffff, v16  }
0x9c: {  	[tilespmem:v3+s3+$0x0] =	vst.idx.add.f32.msk $0xffff, v8  }
0x9d: {  	s0 =	sadd.s32 $0x80, s0;
	[tilespmem:v25+s3+$0x0] =	vst.idx.add.f32.msk $0xffff, v18  }
0x9e: {  	_ =	sdelay $0x3  }
0x9f: {  	[tilespmem:v2+s3+$0x0] =	vst.idx.add.f32.msk $0xffff, v1  }
.LBB2_8:
0xa0: {  	s0 =	sshra.s32 s13, $0x2  }
0xa1: {  	v1 =	vld [tilespmem:s0+$0x7E00];
	_ =	sdelay $0x6  }
0xa2: {  	v2 =	vld [tilespmem:s0+$0x8E00]  }
0xa3: {  	v1 =	vld.idx.msk [tilespmem:v1+s12+$0x0], $0xffff  }
0xa4: {  	v3 =	vld [tilespmem:s0+$0x9E00];
	_ =	sdelay $0x2  }
0xa5: {  	p0 =	sne.s32 s13, $0x100;
	v4 =	vadd.s32 $0x2780, v2  }
.Ltmp2:
0xa6: {  	v5 =	vshll.u32 v1, $0x10;
	(pc) =	sbr.rel @p0 .LBB2_8-.Ltmp2, $4  }
0xa7: {  	v1 =	vand.u32 $0xFFFF0000, v1;
	v5 =	vmul.f32 v5, v3  }
0xa8: {  	v1 =	vmul.f32 v1, v3  }
0xa9: {  	[tilespmem:v2+s2+$0x0] =	vst.idx.add.f32.msk $0xffff, v5  }
0xaa: {  	s13 =	sadd.s32 $0x40, s13;
	[tilespmem:v4+s2+$0x0] =	vst.idx.add.f32.msk $0xffff, v1  }
0xab: {  	p0 =	seq.s32 s26, $0x4F  }
0xac: {  	s0 =	sshrl.u32 @!p0 s28, $0x3  }
0xad: {  	s0 =	sadd.s32 @!p0 $0x1F4, s0  }
0xae: {  	s13 =	simm.s32 @!p0 $0x0;
	s28 =	simm.s32 @!p0 $0x7680;
	s3 =	sadd.s32 @!p0 s4, s0  }
0xaf: {  	[tilespmem:s28], [sflag:$0x2] =	stream.linear.gather @!p0 [hbm4b:s3+s13], $0x7D0, $0x38;
	[tilespmem:$0xA680] =	vst v63  }
0xb0: {  	s3 =	sadd.s32 @!p0 s5, s0;
	s28 =	simm.s32 @!p0 $0x8680  }
0xb1: {  	[tilespmem:s28], [sflag:$0x2] =	stream.linear.gather @!p0 [hbm4b:s3+s13], $0x7D0, $0x38;
	[tilespmem:$0xA680] =	vst v63  }
0xb2: {  	s0 =	sadd.s32 @!p0 s1, s0;
	s3 =	simm.s32 @!p0 $0x9680  }
0xb3: {  	[tilespmem:s3], [sflag:$0x2] =	stream.linear.gather @!p0 [hbm4b:s0+s13], $0x7D0, $0x38;
	[tilespmem:$0xA680] =	vst v63  }
0xb4: {  	_ =	swait.ge [sflag:s21], $0x7D0  }
0xb5: {  	[sflag:s21] =	ssyncset.done $0x0  }
0xb6: {  	[sflag:s21] =	ssyncadd.s32 $0xFFFFF830  }
0xb7: {  	_ =	swait.ge [sflag:s21], $0x7D0  }
0xb8: {  	[sflag:s21] =	ssyncset.done $0x0  }
0xb9: {  	[sflag:s21] =	ssyncadd.s32 $0xFFFFF830  }
0xba: {  	_ =	swait.ge [sflag:s21], $0x7D0  }
0xbb: {  	[sflag:s21] =	ssyncset.done $0x0  }
0xbc: {  	s13 =	simm.s32 $0x7EC0;
	[sflag:s21] =	ssyncadd.s32 $0xFFFFF830  }
0xbd: {  	v1 =	vld [tilespmem:s13+$0x0]  }
0xbe: {  	v2 =	vld [tilespmem:s13+$0xFFFFFFA0]  }
0xbf: {  	v3 =	vld [tilespmem:s13+$0xFFFFFFB0]  }
0xc0: {  	v4 =	vld [tilespmem:s13+$0xFFFFFFC0]  }
0xc1: {  	v5 =	vld [tilespmem:s13+$0xFFFFFFD0]  }
0xc2: {  	v6 =	vld [tilespmem:s13+$0xFFFFFFE0]  }
0xc3: {  	s29 =	simm.s32 $0x8EC0;
	v7 =	vld [tilespmem:s13+$0xFFFFFFF0]  }
0xc4: {  	v8 =	vld [tilespmem:s29+$0x0]  }
0xc5: {  	s30 =	simm.s32 $0x9EC0;
	v9 =	vld [tilespmem:s13+$0xFFFFFF90]  }
0xc6: {  	v10 =	vld [tilespmem:s30+$0x0]  }
0xc7: {  	v50 =	vld [tilespmem:s30+$0xFFFFFF90]  }
0xc8: {  	v51 =	vld [tilespmem:s30+$0xFFFFFFA0]  }
0xc9: {  	v52 =	vld [tilespmem:s30+$0xFFFFFFB0]  }
0xca: {  	v53 =	vld [tilespmem:s30+$0xFFFFFFC0]  }
0xcb: {  	v54 =	vld [tilespmem:s30+$0xFFFFFFD0]  }
0xcc: {  	v13 =	vld [tilespmem:s30+$0xFFFFFFE0]  }
0xcd: {  	v14 =	vld [tilespmem:s29+$0xFFFFFF90]  }
0xce: {  	v15 =	vld [tilespmem:s29+$0xFFFFFFA0]  }
0xcf: {  	v16 =	vld [tilespmem:s30+$0xFFFFFFF0]  }
0xd0: {  	v17 =	vld [tilespmem:s29+$0xFFFFFFB0]  }
0xd1: {  	v1 =	vld.idx.msk [tilespmem:v1+s12+$0x0], $0xffff  }
0xd2: {  	v18 =	vld [tilespmem:s29+$0xFFFFFFC0]  }
0xd3: {  	v20 =	vld [tilespmem:s29+$0xFFFFFFD0]  }
0xd4: {  	v23 =	vld [tilespmem:s29+$0xFFFFFFE0]  }
0xd5: {  	v25 =	vld [tilespmem:s29+$0xFFFFFFF0];
	v11 =	vadd.s32 $0x2780, v8  }
0xd6: {  	v2 =	vld.idx.msk [tilespmem:v2+s12+$0x0], $0xffff;
	v12 =	vshll.u32 v1, $0x10  }
0xd7: {  	v3 =	vld.idx.msk [tilespmem:v3+s12+$0x0], $0xffff;
	v1 =	vand.u32 $0xFFFF0000, v1;
	v12 =	vmul.f32 v12, v10  }
0xd8: {  	s28 =	simm.s32 $0x0;
	v5 =	vld.idx.msk [tilespmem:v5+s12+$0x0], $0xffff;
	v1 =	vmul.f32 v1, v10  }
0xd9: {  	[tilespmem:v8+s28+$0x0] =	vst.idx.add.f32.msk $0xffff, v12  }
0xda: {  	[tilespmem:v11+s28+$0x0] =	vst.idx.add.f32.msk $0xffff, v1  }
0xdb: {  	v1 =	vld.idx.msk [tilespmem:v9+s12+$0x0], $0xffff  }
0xdc: {  	v4 =	vld.idx.msk [tilespmem:v4+s12+$0x0], $0xffff;
	v22 =	vshll.u32 v2, $0x10  }
0xdd: {  	v55 =	vadd.s32 $0x2780, v17;
	v6 =	vld.idx.msk [tilespmem:v6+s12+$0x0], $0xffff;
	v56 =	vshll.u32 v3, $0x10;
	v22 =	vmul.f32 v22, v51  }
0xde: {  	v7 =	vld.idx.msk [tilespmem:v7+s12+$0x0], $0xffff;
	v60 =	vshll.u32 v5, $0x10;
	v57 =	vmul.f32 v56, v52  }
0xdf: {  	v21 =	vadd.s32 $0x2780, v14;
	v3 =	vand.u32 $0xFFFF0000, v3;
	v61 =	vmul.f32 v60, v54;
	[tilespmem:v15+s28+$0x0] =	vst.idx.add.f32.msk $0xffff, v22  }
0xe0: {  	v24 =	vadd.s32 $0x2780, v15;
	v3 =	vmul.f32 v3, v52;
	[tilespmem:v17+s28+$0x0] =	vst.idx.add.f32.msk $0xffff, v57;
	v19 =	vshll.u32 v1, $0x10  }
0xe1: {  	v59 =	vadd.s32 $0x2780, v20;
	[tilespmem:v20+s28+$0x0] =	vst.idx.add.f32.msk $0xffff, v61;
	v1 =	vand.u32 $0xFFFF0000, v1;
	v19 =	vmul.f32 v19, v50  }
0xe2: {  	v2 =	vand.u32 $0xFFFF0000, v2;
	[tilespmem:v55+s28+$0x0] =	vst.idx.add.f32.msk $0xffff, v3;
	v1 =	vmul.f32 v1, v50  }
0xe3: {  	v58 =	vadd.s32 $0x2780, v18;
	v2 =	vmul.f32 v2, v51;
	v3 =	vand.u32 $0xFFFF0000, v5;
	[tilespmem:v14+s28+$0x0] =	vst.idx.add.f32.msk $0xffff, v19  }
0xe4: {  	v3 =	vmul.f32 v3, v54;
	[tilespmem:v21+s28+$0x0] =	vst.idx.add.f32.msk $0xffff, v1;
	v1 =	vshll.u32 v4, $0x10  }
0xe5: {  	[tilespmem:v24+s28+$0x0] =	vst.idx.add.f32.msk $0xffff, v2;
	v2 =	vand.u32 $0xFFFF0000, v4;
	v1 =	vmul.f32 v1, v53  }
0xe6: {  	v62 =	vadd.s32 $0x2780, v23;
	v63 =	vshll.u32 v7, $0x10;
	v2 =	vmul.f32 v2, v53;
	[tilespmem:v59+s28+$0x0] =	vst.idx.add.f32.msk $0xffff, v3  }
0xe7: {  	v3 =	vmul.f32 v63, v16;
	[tilespmem:v18+s28+$0x0] =	vst.idx.add.f32.msk $0xffff, v1;
	v1 =	vshll.u32 v6, $0x10  }
0xe8: {  	[tilespmem:v58+s28+$0x0] =	vst.idx.add.f32.msk $0xffff, v2;
	v2 =	vand.u32 $0xFFFF0000, v6;
	v1 =	vmul.f32 v1, v13  }
0xe9: {  	[tilespmem:v25+s28+$0x0] =	vst.idx.add.f32.msk $0xffff, v3;
	v2 =	vmul.f32 v2, v13  }
0xea: {  	s26 =	sadd.s32 $0x1, s26;
	[tilespmem:v23+s28+$0x0] =	vst.idx.add.f32.msk $0xffff, v1;
	v1 =	vand.u32 $0xFFFF0000, v7  }
0xeb: {  	s31 =	simm.s32 $0x0;
	s0 =	simm.s32 $0x7F40;
	s3 =	simm.s32 $0x0;
	[tilespmem:v62+s28+$0x0] =	vst.idx.add.f32.msk $0xffff, v2;
	v1 =	vmul.f32 v1, v16;
	v2 =	vadd.s32 $0x2780, v25  }
.LBB2_10:
0xec: {  	v3 =	vld [tilespmem:s0+$0x0]  }
0xed: {  	s31 =	sadd.s32 $0x8, s31;
	v4 =	vld [tilespmem:s0+$0xFFFFFFA0]  }
0xee: {  	p0 =	slt.u32 s31, $0x70;
	v5 =	vld [tilespmem:s0+$0xFFFFFFB0]  }
0xef: {  	v6 =	vld [tilespmem:s0+$0xFFFFFFC0]  }
0xf0: {  	v7 =	vld [tilespmem:s0+$0xFFFFFFD0]  }
0xf1: {  	v8 =	vld [tilespmem:s0+$0xFFFFFFE0]  }
0xf2: {  	s29 =	sadd.s32 $0x80, s29;
	v9 =	vld [tilespmem:s0+$0xFFFFFFF0]  }
0xf3: {  	v10 =	vld [tilespmem:s29+$0x0]  }
0xf4: {  	v3 =	vld.idx.msk [tilespmem:v3+s12+$0x0], $0xffff  }
0xf5: {  	s30 =	sadd.s32 $0x80, s30;
	v11 =	vld [tilespmem:s0+$0xFFFFFF90]  }
0xf6: {  	v12 =	vld [tilespmem:s30+$0x0]  }
0xf7: {  	v4 =	vld.idx.msk [tilespmem:v4+s12+$0x0], $0xffff  }
0xf8: {  	v5 =	vld.idx.msk [tilespmem:v5+s12+$0x0], $0xffff  }
0xf9: {  	v13 =	vadd.s32 $0x2780, v10;
	v6 =	vld.idx.msk [tilespmem:v6+s12+$0x0], $0xffff  }
0xfa: {  	v14 =	vshll.u32 v3, $0x10;
	v7 =	vld.idx.msk [tilespmem:v7+s12+$0x0], $0xffff  }
0xfb: {  	v3 =	vand.u32 $0xFFFF0000, v3;
	v8 =	vld.idx.msk [tilespmem:v8+s12+$0x0], $0xffff;
	v14 =	vmul.f32 v14, v12  }
0xfc: {  	v3 =	vmul.f32 v3, v12;
	v9 =	vld.idx.msk [tilespmem:v9+s12+$0x0], $0xffff  }
0xfd: {  	v12 =	vshll.u32 v4, $0x10;
	v4 =	vand.u32 $0xFFFF0000, v4;
	[tilespmem:v10+s28+$0x0] =	vst.idx.add.f32.msk $0xffff, v14  }
0xfe: {  	v10 =	vshll.u32 v5, $0x10;
	v5 =	vand.u32 $0xFFFF0000, v5;
	[tilespmem:v13+s28+$0x0] =	vst.idx.add.f32.msk $0xffff, v3  }
0xff: {  	v3 =	vld.idx.msk [tilespmem:v11+s12+$0x0], $0xffff;
	v11 =	vshll.u32 v6, $0x10;
	v6 =	vand.u32 $0xFFFF0000, v6  }
0x100: {  	v14 =	vshll.u32 v7, $0x10;
	v7 =	vand.u32 $0xFFFF0000, v7;
	v13 =	vld [tilespmem:s30+$0xFFFFFF90]  }
0x101: {  	v16 =	vshll.u32 v8, $0x10;
	v8 =	vand.u32 $0xFFFF0000, v8;
	v15 =	vld [tilespmem:s30+$0xFFFFFFA0]  }
0x102: {  	v18 =	vshll.u32 v9, $0x10;
	v9 =	vand.u32 $0xFFFF0000, v9;
	v17 =	vld [tilespmem:s30+$0xFFFFFFB0]  }
0x103: {  	v19 =	vld [tilespmem:s30+$0xFFFFFFC0]  }
0x104: {  	v20 =	vld [tilespmem:s30+$0xFFFFFFD0]  }
0x105: {  	v21 =	vshll.u32 v3, $0x10;
	v3 =	vand.u32 $0xFFFF0000, v3;
	v22 =	vld [tilespmem:s30+$0xFFFFFFE0]  }
0x106: {  	v21 =	vmul.f32 v21, v13;
	v3 =	vmul.f32 v3, v13;
	v13 =	vld [tilespmem:s30+$0xFFFFFFF0]  }
0x107: {  	v12 =	vmul.f32 v12, v15;
	v4 =	vmul.f32 v4, v15;
	v23 =	vld [tilespmem:s29+$0xFFFFFF90]  }
0x108: {  	v10 =	vmul.f32 v10, v17;
	v5 =	vmul.f32 v5, v17;
	v15 =	vld [tilespmem:s29+$0xFFFFFFA0]  }
0x109: {  	v11 =	vmul.f32 v11, v19;
	v6 =	vmul.f32 v6, v19;
	v17 =	vld [tilespmem:s29+$0xFFFFFFB0]  }
0x10a: {  	v14 =	vmul.f32 v14, v20;
	v7 =	vmul.f32 v7, v20;
	v19 =	vld [tilespmem:s29+$0xFFFFFFC0]  }
0x10b: {  	v16 =	vmul.f32 v16, v22;
	v8 =	vmul.f32 v8, v22;
	v20 =	vld [tilespmem:s29+$0xFFFFFFD0]  }
0x10c: {  	v18 =	vmul.f32 v18, v13;
	v9 =	vmul.f32 v9, v13;
	v22 =	vadd.s32 $0x2780, v23;
	v24 =	vld [tilespmem:s29+$0xFFFFFFE0]  }
0x10d: {  	v13 =	vadd.s32 $0x2780, v15;
	v25 =	vld [tilespmem:s29+$0xFFFFFFF0]  }
0x10e: {  	v26 =	vadd.s32 $0x2780, v17;
	[tilespmem:v2+s3+$0x0] =	vst.idx.add.f32.msk $0xffff, v1;
	v1 =	vmov v9;
	s3 =	smov.u32 s28  }
0x10f: {  	[tilespmem:v23+s3+$0x0] =	vst.idx.add.f32.msk $0xffff, v21;
	v9 =	vadd.s32 $0x2780, v19  }
0x110: {  	[tilespmem:v15+s3+$0x0] =	vst.idx.add.f32.msk $0xffff, v12;
	v12 =	vadd.s32 $0x2780, v20  }
0x111: {  	[tilespmem:v22+s3+$0x0] =	vst.idx.add.f32.msk $0xffff, v3;
	v3 =	vadd.s32 $0x2780, v24  }
0x112: {  	[tilespmem:v13+s3+$0x0] =	vst.idx.add.f32.msk $0xffff, v4;
	v2 =	vadd.s32 $0x2780, v25  }
0x113: {  	[tilespmem:v17+s3+$0x0] =	vst.idx.add.f32.msk $0xffff, v10  }
0x114: {  	[tilespmem:v26+s3+$0x0] =	vst.idx.add.f32.msk $0xffff, v5  }
0x115: {  	[tilespmem:v19+s3+$0x0] =	vst.idx.add.f32.msk $0xffff, v11  }
0x116: {  	[tilespmem:v9+s3+$0x0] =	vst.idx.add.f32.msk $0xffff, v6  }
.Ltmp3:
0x117: {  	[tilespmem:v20+s3+$0x0] =	vst.idx.add.f32.msk $0xffff, v14;
	(pc) =	sbr.rel @p0 .LBB2_10-.Ltmp3, $4  }
0x118: {  	[tilespmem:v12+s3+$0x0] =	vst.idx.add.f32.msk $0xffff, v7  }
0x119: {  	[tilespmem:v24+s3+$0x0] =	vst.idx.add.f32.msk $0xffff, v16  }
0x11a: {  	[tilespmem:v3+s3+$0x0] =	vst.idx.add.f32.msk $0xffff, v8  }
0x11b: {  	s0 =	sadd.s32 $0x80, s0;
	[tilespmem:v25+s3+$0x0] =	vst.idx.add.f32.msk $0xffff, v18  }
0x11c: {  	_ =	sdelay $0x3  }
0x11d: {  	[tilespmem:v2+s3+$0x0] =	vst.idx.add.f32.msk $0xffff, v1  }
.LBB2_12:
0x11e: {  	s0 =	sshra.s32 s28, $0x2  }
0x11f: {  	v1 =	vld [tilespmem:s0+$0x85D0];
	_ =	sdelay $0x6  }
0x120: {  	v2 =	vld [tilespmem:s0+$0x95D0]  }
0x121: {  	v1 =	vld.idx.msk [tilespmem:v1+s12+$0x0], $0xffff  }
0x122: {  	v3 =	vld [tilespmem:s0+$0xA5D0];
	_ =	sdelay $0x2  }
0x123: {  	p0 =	seq.s32 s28, $0x100;
	v4 =	vadd.s32 $0x2780, v2  }
.Ltmp4:
0x124: {  	v5 =	vshll.u32 v1, $0x10;
	(pc) =	sbr.rel @!p0 .LBB2_12-.Ltmp4, $4  }
0x125: {  	v1 =	vand.u32 $0xFFFF0000, v1;
	v5 =	vmul.f32 v5, v3  }
0x126: {  	v1 =	vmul.f32 v1, v3  }
0x127: {  	[tilespmem:v2+s2+$0x0] =	vst.idx.add.f32.msk $0xffff, v5  }
0x128: {  	s28 =	sadd.s32 $0x40, s28;
	[tilespmem:v4+s2+$0x0] =	vst.idx.add.f32.msk $0xffff, v1  }
0x129: {  	p0 =	seq.s32 s26, $0x50  }
.Ltmp5:
0x12a: {  	_ = 	snop;
	(pc) =	sbr.rel @!p0 .LBB2_5-.Ltmp5, $1  }
0x12b: {  	_ =	sdelay $0x3  }
0x12c: {  	[hbm4b:s7+s10] =	stream.strided.scatter [tilespmem:s2], [sflag:$0x4], $0x2780, s11, s10, $0x38;
	[tilespmem:$0xA680] =	vst v63  }
0x12d: {  	s24 =	sadd.s32 $0x1, s24;
	_ =	swait.ge [sflag:s22], $0x2780  }
0x12e: {  	p0 =	sne.s32 s24, s9;
	[sflag:s22] =	ssyncset.done $0x0  }
.Ltmp6:
0x12f: {  	[sflag:s22] =	ssyncadd.s32 $0xFFFFD880;
	(pc) =	sbr.rel @p0 .LBB2_1-.Ltmp6, $4  }
0x130: {  	[hbm4b:s8+s10] =	stream.strided.scatter [tilespmem:s23], [sflag:$0x4], $0x2780, s11, s10, $0x38;
	[tilespmem:$0xA680] =	vst v63  }
0x131: {  	_ =	swait.ge [sflag:s22], $0x2780  }
0x132: {  	[sflag:s22] =	ssyncset.done $0x0  }
0x133: {  	[sflag:s22] =	ssyncadd.s32 $0xFFFFD880  }
0x134: {  	_ =	sfence.sel $0x180000  }
0x135: {  	[bflag:$0x0] =	sbarrier.arrive $0xFFFF  }
0x136: {  	_ =	strace $0x9000004A  }
0x137: {  	s0 =	stileid.u32;
	[bflag:$0x2] =	sbarrier.arrive $0xFFFF  }
0x138: {  	p0 =	sne.s32 s0, $0x0;
	s0 =	rddreg [dreg:$0x3]  }
0x139: {  	s0 =	sadd.s32 @!p0 $0x100000, s0  }
0x13a: {  	[sflag:s0] =	ssyncadd.tile.s32 @!p0 $0x1;
	_ =	shalt  }
.Lfunc_end2:
_tile_overlayer_lowered:
.L_overlay_start_2:
0x13b: {  	(tag) =	ssettag $0x2  }
0x13c: {  	s0 =	rddreg [dreg:$0x0];
	s2 =	stileid.u32  }
0x13d: {  	s1 =	rddreg [dreg:$0x1];
	p0 =	sne.s32 s2, $0x0  }
0x13e: {  	s3 =	rddreg [dreg:$0x2];
	[bflag:$0x3] =	sbarrier.arrive $0xFFFF;
	s2 =	simm.s32 @!p0 $0x1C04  }
0x13f: {  	[timem:s3], [sflag:s2] =	dma.local @!p0 [hbm:s0], s1  }
0x140: {  	s0 =	simm.s32 @!p0 $0x4  }
0x141: {  	_ =	swait.ge @!p0 [sflag:s0], s1  }
0x142: {  	s1 =	ssub.s32 @!p0 $0x0, s1;
	[sflag:s0] =	ssyncset.done @!p0 $0x0  }
0x143: {  	[sflag:s0] =	ssyncadd.s32 @!p0 s1  }
0x144: {  	[bflag:$0x3] =	sbarrier.arrive $0xFFFF  }
0x145: {  	_ =	shalt  }

// kernel: kernel.7.cloned.1.call-start
scs
__scs_entry_jumppad:
0x0: {  	(pc) =	sbr.rel $0x88, $3  }
0x1: {  	(tag) =	ssettag $0x0;
	lr =	simm.s32 $0x1  }
0x2: {  	[smem:$0x3F9A] =	sst lr;
	_ =	strace $0xD0000000  }
0x3: {  	_ = 	snop  }
0x4: {  	_ = 	snop  }
0x5: {  	_ = 	snop  }
0x6: {  	_ = 	snop  }
0x7: {  	_ = 	snop  }
__scs_overlays_trampoline_lowered:
0x8: {  	[smem:$0x3FA9] =	sst s0  }
0x9: {  	[smem:$0x3FAA] =	sst s1  }
0xa: {  	[smem:$0x3FAB] =	sst s2  }
0xb: {  	[smem:$0x3FAC] =	sst s3  }
0xc: {  	[smem:$0x3FAD] =	sst s4  }
0xd: {  	[smem:$0x3FAE] =	sst s5  }
0xe: {  	[smem:$0x3FAF] =	sst s6  }
0xf: {  	[smem:$0x3FB0] =	sst s7  }
0x10: {  	[smem:$0x3FB1] =	sst s8  }
0x11: {  	[smem:$0x3FB2] =	sst s9;
	s0 =	simm.s32 @!p0 $0x0  }
0x12: {  	s1 =	sld [smem:$0x3F98];
	s0 =	simm.s32 @p0 $0x1  }
0x13: {  	[smem:$0x3FB3] =	sst s0;
	s0 =	simm.s32 @!p1 $0x0  }
0x14: {  	s2 =	sld [smem:$0x3F97];
	s0 =	simm.s32 @p1 $0x1  }
0x15: {  	[smem:$0x3FB4] =	sst s0;
	s0 =	simm.s32 @!p2 $0x0  }
0x16: {  	s3 =	sld [smem:$0x3FDB];
	s0 =	simm.s32 @p2 $0x1  }
0x17: {  	s4 =	simm.s32 $0x1BF5;
	[smem:$0x3FB6] =	sst s0  }
0x18: {  	s0 =	sld [smem:$0x3F99];
	_ =	swait.ge [sflag:s4], $0x0  }
0x19: {  	s7 =	sld [smem:$0x3F9A]  }
0x1a: {  	s8 =	sadd.s32 $0xFFFFE003, lr  }
0x1b: {  	s9 =	sadd.s32 $0xFFFFFEF7, lr;
	s5 =	simm.s32 $0xFFFFFFFF;
	p2 =	slt.u32 s8, $0xFFFFF086  }
0x1c: {  	p1 =	slt.u32 s9, $0xF7A;
	s5 =	simm.s32 @!p2 $0x0  }
0x1d: {  	s5 =	simm.s32 @p1 $0x1;
	p0 =	seq.s32 s7, s2  }
0x1e: {  	s7 =	smul.u32 @!p0 $0xF7A, s2;
	p2 =	seq.s32 @!p0 s5, $0x0  }
0x1f: {  	s9 =	smul.u32 $0xF7A, s1;
	s8 =	simm.s32 @!p0 $0x1BF5;
	p2 =	por !p2, p0  }
0x20: {  	[sflag:s8] =	ssyncset.s32 @!p0 $0xFFFFF086;
	s6 =	sadd.s32 @!p0 s3, s7;
	s7 =	simm.s32 @!p0 $0x108  }
0x21: {  	s3 =	sadd.s32 s3, s9;
	s6 =	sadd.s32 @!p0 $0x88, s6;
	s7 =	simm.s32 @p2 $0x1082  }
0x22: {  	[simem:s7], [sflag:s8] =	dma.local @!p0 [hbm:s6], $0xF7A  }
0x23: {  	s9 =	sor.u32 $0xD0000000, s2;
	s6 =	simm.s32 $0x108;
	_ =	swait.ge @!p0 [sflag:s8], $0x0  }
0x24: {  	s3 =	sadd.s32 $0x88, s3;
	s6 =	simm.s32 @!p1 $0x1082;
	[sflag:s4] =	ssyncset.s32 $0xFFFFF086  }
0x25: {  	[simem:s6], [sflag:s4] =	dma.local [hbm:s3], $0xF7A  }
0x26: {  	[smem:$0x3F9A] =	sst s1;
	(tag) =	ssettag s2;
	_ =	strace s9  }
0x27: {  	s1 =	sld [smem:$0x3FAA]  }
0x28: {  	s2 =	sld [smem:$0x3FAB]  }
0x29: {  	s4 =	sld [smem:$0x3FAD]  }
0x2a: {  	p0 =	seq.s32 s5, $0x0;
	s5 =	sld [smem:$0x3FAE]  }
0x2b: {  	s6 =	sld [smem:$0x3FAF]  }
0x2c: {  	s7 =	sld [smem:$0x3FB0]  }
0x2d: {  	s3 =	simm.s32 $0x108;
	s8 =	sld [smem:$0x3FB1]  }
0x2e: {  	s3 =	simm.s32 @!p0 $0x1082;
	s9 =	sld [smem:$0x3FB2]  }
0x2f: {  	lr =	sadd.s32 s0, s3;
	s0 =	sld [smem:$0x3FA9]  }
0x30: {  	s3 =	sld [smem:$0x3FAC]  }
0x31: {  	[smem:$0x3FB5] =	sst s10  }
0x32: {  	s10 =	sld [smem:$0x3FB3];
	_ =	sdelay $0x3  }
0x33: {  	p0 =	seq.s32 s10, $0x1;
	s10 =	sld [smem:$0x3FB5];
	_ =	sdelay $0x3  }
0x34: {  	[smem:$0x3FB5] =	sst s10  }
0x35: {  	s10 =	sld [smem:$0x3FB4];
	_ =	sdelay $0x3  }
0x36: {  	p1 =	seq.s32 s10, $0x1;
	s10 =	sld [smem:$0x3FB5];
	_ =	sdelay $0x3  }
0x37: {  	[smem:$0x3FB5] =	sst s10  }
0x38: {  	s10 =	sld [smem:$0x3FB6]  }
0x39: {  	_ = 	snop;
	(pc) =	sbr.ind lr, $3  }
0x3a: {  	_ = 	snop  }
0x3b: {  	_ = 	snop  }
0x3c: {  	p2 =	seq.s32 s10, $0x1;
	s10 =	sld [smem:$0x3FB5]  }
0x3d: {  	_ =	shalt  }
0x3e: {  	_ =	shalt  }
0x3f: {  	_ =	shalt  }
0x40: {  	_ =	shalt  }
0x41: {  	_ =	shalt  }
0x42: {  	_ =	shalt  }
0x43: {  	_ =	shalt  }
0x44: {  	_ =	shalt  }
0x45: {  	_ =	shalt  }
0x46: {  	_ =	shalt  }
0x47: {  	_ =	shalt  }
0x48: {  	_ =	shalt  }
0x49: {  	_ =	shalt  }
0x4a: {  	_ =	shalt  }
0x4b: {  	_ =	shalt  }
0x4c: {  	_ =	shalt  }
0x4d: {  	_ =	shalt  }
0x4e: {  	_ =	shalt  }
0x4f: {  	_ =	shalt  }
0x50: {  	_ =	shalt  }
0x51: {  	_ =	shalt  }
0x52: {  	_ =	shalt  }
0x53: {  	_ =	shalt  }
0x54: {  	_ =	shalt  }
0x55: {  	_ =	shalt  }
0x56: {  	_ =	shalt  }
0x57: {  	_ =	shalt  }
0x58: {  	_ =	shalt  }
0x59: {  	_ =	shalt  }
0x5a: {  	_ =	shalt  }
0x5b: {  	_ =	shalt  }
0x5c: {  	_ =	shalt  }
0x5d: {  	_ =	shalt  }
0x5e: {  	_ =	shalt  }
0x5f: {  	_ =	shalt  }
0x60: {  	_ =	shalt  }
0x61: {  	_ =	shalt  }
0x62: {  	_ =	shalt  }
0x63: {  	_ =	shalt  }
0x64: {  	_ =	shalt  }
0x65: {  	_ =	shalt  }
0x66: {  	_ =	shalt  }
0x67: {  	_ =	shalt  }
0x68: {  	_ =	shalt  }
0x69: {  	_ =	shalt  }
0x6a: {  	_ =	shalt  }
0x6b: {  	_ =	shalt  }
0x6c: {  	_ =	shalt  }
0x6d: {  	_ =	shalt  }
0x6e: {  	_ =	shalt  }
0x6f: {  	_ =	shalt  }
0x70: {  	_ =	shalt  }
0x71: {  	_ =	shalt  }
0x72: {  	_ =	shalt  }
0x73: {  	_ =	shalt  }
0x74: {  	_ =	shalt  }
0x75: {  	_ =	shalt  }
0x76: {  	_ =	shalt  }
0x77: {  	_ =	shalt  }
0x78: {  	_ =	shalt  }
0x79: {  	_ =	shalt  }
0x7a: {  	_ =	shalt  }
0x7b: {  	_ =	shalt  }
0x7c: {  	_ =	shalt  }
0x7d: {  	_ =	shalt  }
0x7e: {  	_ =	shalt  }
0x7f: {  	_ =	shalt  }
0x80: {  	_ =	shalt  }
0x81: {  	_ =	shalt  }
0x82: {  	_ =	shalt  }
0x83: {  	_ =	shalt  }
0x84: {  	_ =	shalt  }
0x85: {  	_ =	shalt  }
0x86: {  	_ =	shalt  }
0x87: {  	_ =	shalt  }
.Lfunc_end0:
.L_simem_size_0:
called_computation_lowered:
.L_overlay_start_0:
0x88: {  	s2 =	sld [smem:$0x3FD9]  }
0x89: {  	s3 =	sld [smem:$0x3FFE];
	_ =	sdelay $0x1  }
0x8a: {  	s1 =	srdreg.scid  }
0x8b: {  	s0 =	sand.u32 $0x1, s1  }
0x8c: {  	s17 =	sshll.u32 s0, $0xA;
	s2 =	sadd.s32 s3, s2  }
0x8d: {  	s2 =	sadd.s32 s2, s17  }
0x8e: {  	[smem:$0x3FC1] =	sst s2  }
0x8f: {  	_ = 	snop  }
0x90: {  	s2 =	sld [smem:$0x3FC7];
	(tm) =	ssettm $0x1  }
0x91: {  	s18 =	sld [smem:$0x3FFB];
	_ =	sdelay $0x3  }
0x92: {  	_ =	strace s18  }
0x93: {  	s3 =	sld [smem:$0x3FFC];
	_ =	sdelay $0x3  }
0x94: {  	_ =	strace s3  }
0x95: {  	s3 =	sld [smem:$0x3FFD];
	_ =	sdelay $0x3  }
0x96: {  	_ =	strace s3  }
0x97: {  	_ =	strace $0x8FFFFFFF  }
0x98: {  	s19 =	sld [smem:$0x3FDB];
	_ =	sdelay $0x1  }
0x99: {  	s4 =	simm.s32 $_scs_section_size  }
0x9a: {  	s5 =	simm.s32 $_size__tile_overlayer_lowered;
	s6 =	simm.s32 $_tile_overlayer_lowered  }
0x9b: {  	s22 =	simm.s32 $0x1BFF;
	s21 =	sshll.u32 s6, $0x1;
	s3 =	sadd.s32 s4, s19  }
0x9c: {  	s7 =	simm.s32 $0x0;
	s20 =	sshll.u32 s5, $0x1;
	s5 =	sadd.s32 s21, s3  }
0x9d: {  	[timem:s7], [sflag:s22] =	dma.local [hbm:s5], s20  }
0x9e: {  	_ =	swait.ge [sflag:s22], s20  }
0x9f: {  	s4 =	ssub.s32 $0x0, s20;
	[sflag:s22] =	ssyncset.done $0x0  }
0xa0: {  	[sflag:s22] =	ssyncadd.s32 s4;
	_ =	sdelay $0x1  }
0xa1: {  	s23 =	simm.s32 $0x1B8B  }
0xa2: {  	_ =	swait.ge [sflag:s23], $0x1  }
0xa3: {  	[sflag:s23] =	ssyncset.done $0x0  }
0xa4: {  	s25 =	simm.s32 $0x1B8E;
	s24 =	sld [smem:$0x3FFE];
	[sflag:s23] =	ssyncadd.s32 $0xFFFFFFFF  }
0xa5: {  	s26 =	simm.s32 $execute0_lowered;
	[smem:$0x3FD2] =	sst s25  }
0xa6: {  	s5 =	sshll.u32 s26, $0x1;
	_ =	strace $0x80000046;
	[dreg:$0x1] =	wrdreg $0xFFFFFFFF  }
0xa7: {  	s28 =	simm.s32 $_size_execute0_lowered;
	s3 =	sadd.s32 s3, s5;
	[dreg:$0x0] =	wrdreg $0x0  }
0xa8: {  	s5 =	sshll.u32 s28, $0x1;
	[dreg:$0x2] =	wrdreg s3  }
0xa9: {  	[dreg:$0x3] =	wrdreg s5  }
0xaa: {  	[dreg:$0x4] =	wrdreg $0xC0  }
0xab: {  	_ =	task [dreg:s7], $0x5FFFF  }
0xac: {  	[dreg:$0x1] =	wrdreg $0xFFFFFFFF  }
0xad: {  	[dreg:$0x0] =	wrdreg $0x60  }
0xae: {  	[dreg:$0x2] =	wrdreg s24  }
0xaf: {  	[dreg:$0x3] =	wrdreg s2  }
0xb0: {  	[dreg:$0x4] =	wrdreg $0x9  }
0xb1: {  	_ =	task.clear_ibuf [dreg:s7], $0x5FFFF;
	_ =	strace $0x90000046  }
0xb2: {  	s29 =	simm.s32 $0x9;
	_ =	strace $0x80000048  }
0xb3: {  	_ =	swait.ge [sflag:s29], $0x1  }
0xb4: {  	[sflag:s29] =	ssyncadd.s32 $0xFFFFFFFF  }
0xb5: {  	_ =	strace $0x90000048  }
0xb6: {  	_ =	sfence  }
0xb7: {  	s30 =	sld [smem:$0x0];
	_ =	sdelay $0x2  }
0xb8: {  	s31 =	sshll.u32 s1, $0xD;
	s1 =	sshrl.u32 s1, $0x2  }
0xb9: {  	s3 =	sand.u32 $0x4000, s31;
	s1 =	sadd.s32 s1, s30  }
0xba: {  	s0 =	sor.u32 s3, s0;
	s1 =	sshll.u32 s1, $0x11  }
0xbb: {  	s0 =	sor.u32 s1, s0  }
0xbc: {  	s0 =	sadd.s32 $0x8F2B, s0  }
0xbd: {  	[sflag:s0] =	ssyncadd.remote.s32 $0x1  }
0xbe: {  	_ =	sfence.sel $0xFFFF  }
0xbf: {  	[dreg:$0x0] =	wrdreg $0xFFFFFFFF;
	(pc) =	sbr.abs _section_cstart, $3  }
0xc0: {  	[dreg:$0x1] =	wrdreg $0xFFFFFFFF  }
0xc1: {  	_ =	task.clear_ibuf [dreg:s7], $0x2FFFF;
	_ =	strace $0x9FFFFFFF  }
0xc2: {  	(tm) =	ssettm $0x7FFFFFFF  }
0xc3: {  	_ =	shalt  }
tec
execute0_lowered:
.L_overlay_start_1:
0x0: {  	(tag) =	ssettag $0x1  }
0x1: {  	s0 =	rddreg [dreg:$0x0]  }
0x2: {  	s1 =	srdreg.scid;
	s6 =	stileid.u32  }
0x3: {  	s13 =	simm.s32 $0x80;
	s14 =	simm.s32 $0x400;
	s15 =	simm.s32 $0x9E00  }
0x4: {  	s20 =	simm.s32 $0x1;
	s21 =	simm.s32 $0xF4D0;
	s22 =	simm.s32 $0x104D0  }
0x5: {  	s23 =	simm.s32 $0x114D0;
	s24 =	simm.s32 $0x2;
	s25 =	simm.s32 $0x3  }
0x6: {  	s26 =	simm.s32 $0x4;
	s31 =	simm.s32 $0x0;
	s1 =	sand.u32 $0x1, s1  }
0x7: {  	s2 =	sshrl.u32 s6, $0x1;
	s3 =	sshll.u32 s6, $0x9;
	s29 =	smul.u32 $0x13C00, s6  }
0x8: {  	s4 =	smul.u32 $0x13C00, s2;
	s5 =	sshll.u32 s1, $0x8;
	s3 =	sand.u32 $0x200, s3  }
0x9: {  	s2 =	rddreg [dreg:$0x1];
	s30 =	sshll.u32 s1, $0x9;
	s1 =	ssub.s32 $0x2, s1  }
0xa: {  	s5 =	sor.u32 s5, s3;
	s3 =	simm.s32 $0x0;
	s6 =	sor.u32 s30, s29  }
0xb: {  	s8 =	sshrl.u32 s1, $0x1;
	s4 =	sor.u32 s4, s5;
	[smem:$0x7FF] =	sst s3  }
0xc: {  	s5 =	sadd.s32 $0x800, s0;
	s6 =	sshrl.u32 s6, $0x3;
	s1 =	ssub.s32 s1, s8  }
0xd: {  	s4 =	sshrl.u32 s4, $0x3;
	_ =	strace $0x80000047;
	s12 =	smax.u32 s1, $0x1  }
0xe: {  	s7 =	sadd.s32 s4, s0;
	s4 =	sadd.s32 $0xA600, s0;
	s0 =	sadd.s32 s6, s0  }
0xf: {  	s6 =	sadd.s32 $0x14400, s7;
	s7 =	sadd.s32 $0x14410, s7;
	s8 =	sadd.s32 $0x28000, s0  }
0x10: {  	v0 =	vimm.f32 $0.0e+00;
	s9 =	sadd.s32 $0x28010, s0;
	s10 =	sadd.s32 $0x28020, s0;
	s11 =	sadd.s32 $0x28030, s0  }
.LBB2_1:
0x11: {  	[tilespmem:s15], [sflag:$0x1] =	stream.strided.gather [hbm4b:s6+s13], $0x2780, s14, s13, $0x38;
	[tilespmem:$0x11D00] =	vst v63  }
0x12: {  	s0 =	simm.s32 $0xC580  }
0x13: {  	[tilespmem:s0], [sflag:$0x1] =	stream.strided.gather [hbm4b:s7+s13], $0x2780, s14, s13, $0x38;
	[tilespmem:$0x11D00] =	vst v63  }
0x14: {  	s28 =	simm.s32 $0xED00  }
0x15: {  	[tilespmem:s28], [sflag:$0x2] =	stream.linear.gather [hbm4b:s4+s3], $0x7D0, $0x38;
	[tilespmem:$0x11D00] =	vst v63  }
0x16: {  	s29 =	simm.s32 $0xFD00  }
0x17: {  	[tilespmem:s29], [sflag:$0x2] =	stream.linear.gather [hbm4b:s5+s3], $0x7D0, $0x38;
	[tilespmem:$0x11D00] =	vst v63  }
0x18: {  	s30 =	simm.s32 $0x10D00;
	s0 =	simm.s32 $0x40  }
0x19: {  	[tilespmem:s30], [sflag:$0x2] =	stream.linear.gather [hbm4b:s2+s3], $0x7D0, $0x38;
	[tilespmem:$0x11D00] =	vst v63  }
0x1a: {  	[tilespmem:s0+$0xFFFFFFC0] =	vst v0  }
0x1b: {  	[tilespmem:s0+$0x30] =	vst v0  }
0x1c: {  	[tilespmem:s0+$0x20] =	vst v0  }
0x1d: {  	[tilespmem:s0+$0x10] =	vst v0  }
0x1e: {  	[tilespmem:s0+$0x0] =	vst v0  }
0x1f: {  	[tilespmem:s0+$0xFFFFFFF0] =	vst v0  }
0x20: {  	s1 =	simm.s32 $0x0;
	[tilespmem:s0+$0xFFFFFFE0] =	vst v0  }
.LBB2_2:
0x21: {  	s1 =	sadd.s32 $0x8, s1;
	[tilespmem:s0+$0xFFFFFFD0] =	vst v0;
	s0 =	sadd.s32 $0x80, s0  }
0x22: {  	[tilespmem:s0+$0xFFFFFFC0] =	vst v0;
	p0 =	slt.u32 s1, $0x9D8  }
0x23: {  	[tilespmem:s0+$0x30] =	vst v0  }
.Ltmp0:
0x24: {  	[tilespmem:s0+$0x20] =	vst v0;
	(pc) =	sbr.rel @p0 .LBB2_2-.Ltmp0, $4  }
0x25: {  	[tilespmem:s0+$0x10] =	vst v0  }
0x26: {  	[tilespmem:s0+$0x0] =	vst v0  }
0x27: {  	[tilespmem:s0+$0xFFFFFFF0] =	vst v0  }
0x28: {  	[tilespmem:s0+$0xFFFFFFE0] =	vst v0  }
0x29: {  	[tilespmem:s0+$0xFFFFFFD0] =	vst v0  }
0x2a: {  	_ =	swait.ge [sflag:s20], $0x2780  }
0x2b: {  	[sflag:s20] =	ssyncset.done $0x0  }
0x2c: {  	[sflag:s20] =	ssyncadd.s32 $0xFFFFD880  }
0x2d: {  	_ =	swait.ge [sflag:s20], $0x2780  }
0x2e: {  	[sflag:s20] =	ssyncset.done $0x0  }
0x2f: {  	s1 =	simm.s32 $0x0;
	s0 =	simm.s32 $0x0;
	[sflag:s20] =	ssyncadd.s32 $0xFFFFD880  }
.LBB2_5:
0x30: {  	s16 =	smul.u32 $0xFA0, s0;
	_ =	sdelay $0x1  }
0x31: {  	s17 =	sshrl.u32 s16, $0x3  }
0x32: {  	s17 =	sadd.s32 $0xFA, s17  }
0x33: {  	s18 =	sadd.s32 s4, s17  }
0x34: {  	[tilespmem:s21], [sflag:$0x3] =	stream.linear.gather [hbm4b:s18+s3], $0x7D0, $0x38;
	[tilespmem:$0x11D00] =	vst v63  }
0x35: {  	s30 =	sadd.s32 s5, s17  }
0x36: {  	[tilespmem:s22], [sflag:$0x3] =	stream.linear.gather [hbm4b:s30+s3], $0x7D0, $0x38;
	[tilespmem:$0x11D00] =	vst v63  }
0x37: {  	s17 =	sadd.s32 s2, s17  }
0x38: {  	[tilespmem:s23], [sflag:$0x3] =	stream.linear.gather [hbm4b:s17+s3], $0x7D0, $0x38;
	[tilespmem:$0x11D00] =	vst v63  }
0x39: {  	_ =	swait.ge [sflag:s24], $0x7D0  }
0x3a: {  	[sflag:s24] =	ssyncset.done $0x0  }
0x3b: {  	[sflag:s24] =	ssyncadd.s32 $0xFFFFF830  }
0x3c: {  	_ =	swait.ge [sflag:s24], $0x7D0  }
0x3d: {  	[sflag:s24] =	ssyncset.done $0x0  }
0x3e: {  	[sflag:s24] =	ssyncadd.s32 $0xFFFFF830  }
0x3f: {  	_ =	swait.ge [sflag:s24], $0x7D0  }
0x40: {  	[sflag:s24] =	ssyncset.done $0x0  }
0x41: {  	s19 =	simm.s32 $0xED40;
	[sflag:s24] =	ssyncadd.s32 $0xFFFFF830  }
0x42: {  	v1 =	vld [tilespmem:s19+$0x30]  }
0x43: {  	v2 =	vld [tilespmem:s19+$0xFFFFFFD0]  }
0x44: {  	v3 =	vld [tilespmem:s19+$0xFFFFFFE0]  }
0x45: {  	v4 =	vld [tilespmem:s19+$0xFFFFFFF0]  }
0x46: {  	v5 =	vld [tilespmem:s19+$0x0]  }
0x47: {  	v6 =	vld [tilespmem:s19+$0x10]  }
0x48: {  	s17 =	simm.s32 $0xFD40;
	v7 =	vld [tilespmem:s19+$0x20]  }
0x49: {  	v8 =	vld [tilespmem:s17+$0x30]  }
0x4a: {  	s18 =	simm.s32 $0x10D40;
	v10 =	vld [tilespmem:s19+$0xFFFFFFC0]  }
0x4b: {  	v11 =	vld [tilespmem:s18+$0x30]  }
0x4c: {  	v39 =	vld [tilespmem:s18+$0xFFFFFFC0]  }
0x4d: {  	v40 =	vld [tilespmem:s18+$0xFFFFFFD0]  }
0x4e: {  	v20 =	vld [tilespmem:s18+$0xFFFFFFE0]  }
0x4f: {  	v22 =	vld [tilespmem:s18+$0xFFFFFFF0]  }
0x50: {  	v23 =	vld [tilespmem:s18+$0x0]  }
0x51: {  	v25 =	vld [tilespmem:s18+$0x10]  }
0x52: {  	v9 =	vld.idx.msk [tilespmem:v1+s15+$0x0], $0xffff  }
0x53: {  	v26 =	vld [tilespmem:s18+$0x20]  }
0x54: {  	v41 =	vld [tilespmem:s17+$0xFFFFFFD0]  }
0x55: {  	v27 =	vld [tilespmem:s17+$0x0]  }
0x56: {  	v30 =	vld [tilespmem:s17+$0x10];
	v15 =	vadd.s32 $0x2780, v8  }
0x57: {  	v32 =	vld [tilespmem:s17+$0x20];
	v1 =	vadd.s32 $0x2780, v1;
	v17 =	vshll.u32 v9, $0x10  }
0x58: {  	v12 =	vld.idx.msk [tilespmem:v2+s15+$0x0], $0xffff;
	v9 =	vand.u32 $0xFFFF0000, v9;
	v17 =	vmul.f32 v17, v11  }
0x59: {  	v13 =	vld.idx.msk [tilespmem:v3+s15+$0x0], $0xffff;
	v9 =	vmul.f32 v9, v11  }
0x5a: {  	[tilespmem:v8+s1+$0x0] =	vst.idx.add.f32.msk $0xffff, v17  }
0x5b: {  	[tilespmem:v15+s1+$0x0] =	vst.idx.add.f32.msk $0xffff, v9  }
0x5c: {  	v1 =	vld.idx.msk [tilespmem:v1+s15+$0x0], $0xffff  }
0x5d: {  	v14 =	vld.idx.msk [tilespmem:v4+s15+$0x0], $0xffff  }
0x5e: {  	v16 =	vld.idx.msk [tilespmem:v5+s15+$0x0], $0xffff;
	v29 =	vshll.u32 v12, $0x10  }
0x5f: {  	v21 =	vadd.s32 $0x4F00, v8;
	v18 =	vld.idx.msk [tilespmem:v6+s15+$0x0], $0xffff;
	v29 =	vmul.f32 v29, v40  }
0x60: {  	v19 =	vld.idx.msk [tilespmem:v7+s15+$0x0], $0xffff;
	v8 =	vadd.s32 $0x7680, v8  }
0x61: {  	[tilespmem:v41+s1+$0x0] =	vst.idx.add.f32.msk $0xffff, v29;
	v24 =	vshll.u32 v1, $0x10  }
0x62: {  	v9 =	vld.idx.msk [tilespmem:v10+s15+$0x0], $0xffff;
	v1 =	vand.u32 $0xFFFF0000, v1;
	v24 =	vmul.f32 v24, v11  }
0x63: {  	v1 =	vmul.f32 v1, v11;
	v11 =	vld [tilespmem:s17+$0xFFFFFFC0]  }
0x64: {  	v47 =	vshll.u32 v16, $0x10;
	[tilespmem:v21+s1+$0x0] =	vst.idx.add.f32.msk $0xffff, v24  }
0x65: {  	v31 =	vadd.s32 $0x2780, v41;
	v49 =	vmul.f32 v47, v23;
	[tilespmem:v8+s1+$0x0] =	vst.idx.add.f32.msk $0xffff, v1  }
0x66: {  	v2 =	vadd.s32 $0x2780, v2;
	v52 =	vshll.u32 v19, $0x10;
	v1 =	vld [tilespmem:s17+$0xFFFFFFE0]  }
0x67: {  	v12 =	vand.u32 $0xFFFF0000, v12;
	v54 =	vmul.f32 v52, v26;
	[tilespmem:v27+s1+$0x0] =	vst.idx.add.f32.msk $0xffff, v49  }
0x68: {  	v12 =	vmul.f32 v12, v40;
	v8 =	vld [tilespmem:s17+$0xFFFFFFF0];
	v28 =	vadd.s32 $0x2780, v11  }
0x69: {  	[tilespmem:v32+s1+$0x0] =	vst.idx.add.f32.msk $0xffff, v54;
	v42 =	vshll.u32 v9, $0x10  }
0x6a: {  	[tilespmem:v31+s1+$0x0] =	vst.idx.add.f32.msk $0xffff, v12;
	v10 =	vadd.s32 $0x2780, v10;
	v9 =	vand.u32 $0xFFFF0000, v9;
	v24 =	vmul.f32 v42, v39  }
0x6b: {  	v43 =	vshll.u32 v13, $0x10;
	v2 =	vld.idx.msk [tilespmem:v2+s15+$0x0], $0xffff;
	v9 =	vmul.f32 v9, v39;
	v33 =	vadd.s32 $0x2780, v1  }
0x6c: {  	[tilespmem:v11+s1+$0x0] =	vst.idx.add.f32.msk $0xffff, v24;
	v24 =	vmul.f32 v43, v20  }
0x6d: {  	v13 =	vand.u32 $0xFFFF0000, v13;
	v44 =	vadd.s32 $0x2780, v8;
	[tilespmem:v28+s1+$0x0] =	vst.idx.add.f32.msk $0xffff, v9  }
0x6e: {  	v3 =	vadd.s32 $0x2780, v3;
	v13 =	vmul.f32 v13, v20;
	v9 =	vshll.u32 v14, $0x10;
	[tilespmem:v1+s1+$0x0] =	vst.idx.add.f32.msk $0xffff, v24  }
0x6f: {  	v45 =	vand.u32 $0xFFFF0000, v14;
	v9 =	vmul.f32 v9, v22;
	v10 =	vld.idx.msk [tilespmem:v10+s15+$0x0], $0xffff  }
0x70: {  	v46 =	vadd.s32 $0x2780, v27;
	v12 =	vmul.f32 v45, v22;
	[tilespmem:v33+s1+$0x0] =	vst.idx.add.f32.msk $0xffff, v13  }
0x71: {  	v4 =	vadd.s32 $0x2780, v4;
	[tilespmem:v8+s1+$0x0] =	vst.idx.add.f32.msk $0xffff, v9;
	v9 =	vshll.u32 v18, $0x10  }
0x72: {  	v53 =	vadd.s32 $0x2780, v32;
	v48 =	vand.u32 $0xFFFF0000, v16;
	[tilespmem:v44+s1+$0x0] =	vst.idx.add.f32.msk $0xffff, v12;
	v9 =	vmul.f32 v9, v25  }
0x73: {  	v5 =	vadd.s32 $0x2780, v5;
	v13 =	vmul.f32 v48, v23;
	v3 =	vld.idx.msk [tilespmem:v3+s15+$0x0], $0xffff  }
0x74: {  	v50 =	vadd.s32 $0x2780, v30;
	[tilespmem:v30+s1+$0x0] =	vst.idx.add.f32.msk $0xffff, v9;
	v9 =	vand.u32 $0xFFFF0000, v19  }
0x75: {  	v6 =	vadd.s32 $0x2780, v6;
	[tilespmem:v46+s1+$0x0] =	vst.idx.add.f32.msk $0xffff, v13;
	v9 =	vmul.f32 v9, v26  }
0x76: {  	v7 =	vadd.s32 $0x2780, v7;
	v51 =	vand.u32 $0xFFFF0000, v18;
	v4 =	vld.idx.msk [tilespmem:v4+s15+$0x0], $0xffff  }
0x77: {  	v12 =	vmul.f32 v51, v25;
	[tilespmem:v53+s1+$0x0] =	vst.idx.add.f32.msk $0xffff, v9;
	v9 =	vadd.s32 $0x4F00, v11  }
0x78: {  	v5 =	vld.idx.msk [tilespmem:v5+s15+$0x0], $0xffff;
	v11 =	vadd.s32 $0x7680, v11  }
0x79: {  	v55 =	vadd.s32 $0x4F00, v41;
	v56 =	vshll.u32 v10, $0x10;
	[tilespmem:v50+s1+$0x0] =	vst.idx.add.f32.msk $0xffff, v12  }
0x7a: {  	v57 =	vadd.s32 $0x7680, v41;
	v10 =	vand.u32 $0xFFFF0000, v10;
	v13 =	vmul.f32 v56, v39;
	v6 =	vld.idx.msk [tilespmem:v6+s15+$0x0], $0xffff  }
0x7b: {  	v59 =	vshll.u32 v2, $0x10;
	v58 =	vadd.s32 $0x4F00, v1;
	v10 =	vmul.f32 v10, v39;
	v7 =	vld.idx.msk [tilespmem:v7+s15+$0x0], $0xffff  }
0x7c: {  	v2 =	vand.u32 $0xFFFF0000, v2;
	v1 =	vadd.s32 $0x7680, v1;
	[tilespmem:v9+s1+$0x0] =	vst.idx.add.f32.msk $0xffff, v13;
	v9 =	vmul.f32 v59, v40  }
0x7d: {  	v2 =	vmul.f32 v2, v40;
	v60 =	vadd.s32 $0x4F00, v8;
	v61 =	vshll.u32 v3, $0x10;
	[tilespmem:v11+s1+$0x0] =	vst.idx.add.f32.msk $0xffff, v10  }
0x7e: {  	v8 =	vadd.s32 $0x7680, v8;
	v3 =	vand.u32 $0xFFFF0000, v3;
	[tilespmem:v55+s1+$0x0] =	vst.idx.add.f32.msk $0xffff, v9;
	v9 =	vmul.f32 v61, v20  }
0x7f: {  	v10 =	vadd.s32 $0x4F00, v27;
	v11 =	vshll.u32 v4, $0x10;
	[tilespmem:v57+s1+$0x0] =	vst.idx.add.f32.msk $0xffff, v2;
	v2 =	vmul.f32 v3, v20  }
0x80: {  	v62 =	vadd.s32 $0x7680, v27;
	v3 =	vand.u32 $0xFFFF0000, v4;
	v4 =	vmul.f32 v11, v22;
	[tilespmem:v58+s1+$0x0] =	vst.idx.add.f32.msk $0xffff, v9  }
0x81: {  	v11 =	vadd.s32 $0x4F00, v30;
	v9 =	vshll.u32 v5, $0x10;
	v63 =	vmul.f32 v3, v22;
	[tilespmem:v1+s1+$0x0] =	vst.idx.add.f32.msk $0xffff, v2  }
0x82: {  	v1 =	vand.u32 $0xFFFF0000, v5;
	v2 =	vmul.f32 v9, v23;
	[tilespmem:v60+s1+$0x0] =	vst.idx.add.f32.msk $0xffff, v4  }
0x83: {  	v3 =	vadd.s32 $0x7680, v30;
	v4 =	vshll.u32 v6, $0x10;
	v5 =	vmul.f32 v1, v23;
	[tilespmem:v8+s1+$0x0] =	vst.idx.add.f32.msk $0xffff, v63  }
0x84: {  	v6 =	vand.u32 $0xFFFF0000, v6;
	v1 =	vadd.s32 $0x4F00, v32;
	v8 =	vmul.f32 v4, v25;
	[tilespmem:v10+s1+$0x0] =	vst.idx.add.f32.msk $0xffff, v2  }
0x85: {  	v4 =	vshll.u32 v7, $0x10;
	v7 =	vand.u32 $0xFFFF0000, v7;
	v9 =	vmul.f32 v6, v25;
	[tilespmem:v62+s1+$0x0] =	vst.idx.add.f32.msk $0xffff, v5  }
0x86: {  	s29 =	simm.s32 $0xEDC0;
	s28 =	simm.s32 $0x0;
	s19 =	simm.s32 $0x0;
	v2 =	vadd.s32 $0x7680, v32;
	v5 =	vmul.f32 v4, v26;
	v4 =	vmul.f32 v7, v26;
	[tilespmem:v11+s1+$0x0] =	vst.idx.add.f32.msk $0xffff, v8  }
.LBB2_6:
0x87: {  	v13 =	vld [tilespmem:s29+$0x30]  }
0x88: {  	v12 =	vld [tilespmem:s29+$0xFFFFFFD0]  }
0x89: {  	s19 =	sadd.s32 $0x8, s19;
	v14 =	vld [tilespmem:s29+$0xFFFFFFE0]  }
0x8a: {  	p0 =	slt.u32 s19, $0x70;
	v15 =	vld [tilespmem:s29+$0xFFFFFFF0]  }
0x8b: {  	v16 =	vld [tilespmem:s29+$0x0]  }
0x8c: {  	v17 =	vld [tilespmem:s29+$0x10]  }
0x8d: {  	s17 =	sadd.s32 $0x80, s17;
	v6 =	vadd.s32 $0x2780, v12;
	v18 =	vld [tilespmem:s29+$0x20]  }
0x8e: {  	v7 =	vadd.s32 $0x2780, v14;
	v21 =	vld [tilespmem:s17+$0x30]  }
0x8f: {  	v8 =	vadd.s32 $0x2780, v15;
	v20 =	vld.idx.msk [tilespmem:v13+s15+$0x0], $0xffff  }
0x90: {  	s18 =	sadd.s32 $0x80, s18;
	v22 =	vld [tilespmem:s29+$0xFFFFFFC0];
	v10 =	vadd.s32 $0x2780, v16  }
0x91: {  	v11 =	vadd.s32 $0x2780, v17;
	v23 =	vld [tilespmem:s18+$0x30]  }
0x92: {  	v24 =	vld.idx.msk [tilespmem:v12+s15+$0x0], $0xffff;
	v12 =	vadd.s32 $0x2780, v18  }
0x93: {  	v14 =	vld.idx.msk [tilespmem:v14+s15+$0x0], $0xffff  }
0x94: {  	v25 =	vadd.s32 $0x2780, v21;
	v15 =	vld.idx.msk [tilespmem:v15+s15+$0x0], $0xffff  }
0x95: {  	v13 =	vadd.s32 $0x2780, v13;
	v26 =	vshll.u32 v20, $0x10;
	v19 =	vadd.s32 $0x2780, v22;
	v16 =	vld.idx.msk [tilespmem:v16+s15+$0x0], $0xffff  }
0x96: {  	v20 =	vand.u32 $0xFFFF0000, v20;
	v17 =	vld.idx.msk [tilespmem:v17+s15+$0x0], $0xffff;
	v26 =	vmul.f32 v26, v23  }
0x97: {  	s30 =	simm.s32 $0x0;
	v27 =	vld.idx.msk [tilespmem:v18+s15+$0x0], $0xffff;
	v18 =	vmul.f32 v20, v23  }
0x98: {  	v28 =	vshll.u32 v24, $0x10;
	v24 =	vand.u32 $0xFFFF0000, v24;
	[tilespmem:v21+s30+$0x0] =	vst.idx.add.f32.msk $0xffff, v26  }
0x99: {  	v26 =	vshll.u32 v14, $0x10;
	v29 =	vand.u32 $0xFFFF0000, v14;
	[tilespmem:v25+s30+$0x0] =	vst.idx.add.f32.msk $0xffff, v18  }
0x9a: {  	v25 =	vshll.u32 v15, $0x10;
	v30 =	vand.u32 $0xFFFF0000, v15;
	v31 =	vld.idx.msk [tilespmem:v13+s15+$0x0], $0xffff  }
0x9b: {  	v32 =	vshll.u32 v16, $0x10;
	v33 =	vand.u32 $0xFFFF0000, v16;
	v22 =	vld.idx.msk [tilespmem:v22+s15+$0x0], $0xffff  }
0x9c: {  	v34 =	vshll.u32 v17, $0x10;
	v35 =	vand.u32 $0xFFFF0000, v17;
	v20 =	vld [tilespmem:s18+$0xFFFFFFC0]  }
0x9d: {  	v36 =	vshll.u32 v27, $0x10;
	v27 =	vand.u32 $0xFFFF0000, v27;
	v18 =	vld [tilespmem:s18+$0xFFFFFFD0]  }
0x9e: {  	v37 =	vadd.s32 $0x4F00, v21;
	v17 =	vld [tilespmem:s18+$0xFFFFFFE0]  }
0x9f: {  	v21 =	vadd.s32 $0x7680, v21;
	v15 =	vld [tilespmem:s18+$0xFFFFFFF0]  }
0xa0: {  	v16 =	vshll.u32 v31, $0x10;
	v13 =	vld [tilespmem:s18+$0x0]  }
0xa1: {  	v31 =	vand.u32 $0xFFFF0000, v31;
	v38 =	vshll.u32 v22, $0x10;
	v39 =	vmul.f32 v16, v23;
	v14 =	vld [tilespmem:s18+$0x10]  }
0xa2: {  	v22 =	vand.u32 $0xFFFF0000, v22;
	v23 =	vmul.f32 v31, v23;
	v38 =	vmul.f32 v38, v20;
	v16 =	vld [tilespmem:s18+$0x20]  }
0xa3: {  	v22 =	vmul.f32 v22, v20;
	v28 =	vmul.f32 v28, v18;
	[tilespmem:v37+s30+$0x0] =	vst.idx.add.f32.msk $0xffff, v39  }
0xa4: {  	v24 =	vmul.f32 v24, v18;
	v26 =	vmul.f32 v26, v17;
	[tilespmem:v21+s30+$0x0] =	vst.idx.add.f32.msk $0xffff, v23  }
0xa5: {  	v23 =	vmul.f32 v29, v17;
	v25 =	vmul.f32 v25, v15;
	v21 =	vld [tilespmem:s17+$0xFFFFFFC0]  }
0xa6: {  	v30 =	vmul.f32 v30, v15;
	v31 =	vmul.f32 v32, v13;
	v29 =	vld [tilespmem:s17+$0xFFFFFFD0]  }
0xa7: {  	v33 =	vmul.f32 v33, v13;
	v34 =	vmul.f32 v34, v14;
	v32 =	vld [tilespmem:s17+$0xFFFFFFE0]  }
0xa8: {  	v35 =	vmul.f32 v35, v14;
	v36 =	vmul.f32 v36, v16;
	v37 =	vld [tilespmem:s17+$0xFFFFFFF0]  }
0xa9: {  	v27 =	vmul.f32 v27, v16;
	v39 =	vld [tilespmem:s17+$0x0]  }
0xaa: {  	v40 =	vadd.s32 $0x2780, v21;
	v41 =	vadd.s32 $0x4F00, v21;
	v42 =	vadd.s32 $0x7680, v21;
	v43 =	vld [tilespmem:s17+$0x10]  }
0xab: {  	v44 =	vadd.s32 $0x2780, v29;
	v45 =	vadd.s32 $0x4F00, v29;
	v46 =	vadd.s32 $0x7680, v29;
	v47 =	vld [tilespmem:s17+$0x20]  }
0xac: {  	v48 =	vadd.s32 $0x2780, v32;
	v49 =	vadd.s32 $0x4F00, v32;
	v50 =	vadd.s32 $0x7680, v32;
	[tilespmem:v3+s28+$0x0] =	vst.idx.add.f32.msk $0xffff, v9  }
0xad: {  	[tilespmem:v21+s30+$0x0] =	vst.idx.add.f32.msk $0xffff, v38;
	v9 =	vadd.s32 $0x2780, v37;
	v21 =	vadd.s32 $0x4F00, v37;
	v38 =	vadd.s32 $0x7680, v37  }
0xae: {  	[tilespmem:v29+s30+$0x0] =	vst.idx.add.f32.msk $0xffff, v28;
	v28 =	vadd.s32 $0x2780, v39;
	v29 =	vadd.s32 $0x4F00, v39;
	v51 =	vadd.s32 $0x7680, v39  }
0xaf: {  	[tilespmem:v40+s30+$0x0] =	vst.idx.add.f32.msk $0xffff, v22;
	v22 =	vadd.s32 $0x2780, v43;
	v40 =	vadd.s32 $0x4F00, v43;
	v3 =	vadd.s32 $0x7680, v43  }
0xb0: {  	[tilespmem:v44+s30+$0x0] =	vst.idx.add.f32.msk $0xffff, v24;
	v24 =	vadd.s32 $0x2780, v47;
	v44 =	vadd.s32 $0x4F00, v47;
	v52 =	vadd.s32 $0x7680, v47  }
0xb1: {  	[tilespmem:v32+s30+$0x0] =	vst.idx.add.f32.msk $0xffff, v26  }
0xb2: {  	[tilespmem:v48+s30+$0x0] =	vst.idx.add.f32.msk $0xffff, v23  }
0xb3: {  	[tilespmem:v37+s30+$0x0] =	vst.idx.add.f32.msk $0xffff, v25  }
0xb4: {  	[tilespmem:v9+s30+$0x0] =	vst.idx.add.f32.msk $0xffff, v30  }
0xb5: {  	[tilespmem:v39+s30+$0x0] =	vst.idx.add.f32.msk $0xffff, v31  }
0xb6: {  	[tilespmem:v28+s30+$0x0] =	vst.idx.add.f32.msk $0xffff, v33  }
0xb7: {  	[tilespmem:v43+s30+$0x0] =	vst.idx.add.f32.msk $0xffff, v34  }
0xb8: {  	[tilespmem:v22+s30+$0x0] =	vst.idx.add.f32.msk $0xffff, v35  }
0xb9: {  	[tilespmem:v47+s30+$0x0] =	vst.idx.add.f32.msk $0xffff, v36  }
0xba: {  	[tilespmem:v24+s30+$0x0] =	vst.idx.add.f32.msk $0xffff, v27  }
0xbb: {  	v9 =	vld.idx.msk [tilespmem:v19+s15+$0x0], $0xffff  }
0xbc: {  	v6 =	vld.idx.msk [tilespmem:v6+s15+$0x0], $0xffff  }
0xbd: {  	v7 =	vld.idx.msk [tilespmem:v7+s15+$0x0], $0xffff  }
0xbe: {  	v8 =	vld.idx.msk [tilespmem:v8+s15+$0x0], $0xffff  }
0xbf: {  	v10 =	vld.idx.msk [tilespmem:v10+s15+$0x0], $0xffff  }
0xc0: {  	v11 =	vld.idx.msk [tilespmem:v11+s15+$0x0], $0xffff  }
0xc1: {  	v19 =	vshll.u32 v9, $0x10;
	v9 =	vand.u32 $0xFFFF0000, v9;
	v12 =	vld.idx.msk [tilespmem:v12+s15+$0x0], $0xffff  }
0xc2: {  	v19 =	vmul.f32 v19, v20;
	v22 =	vshll.u32 v6, $0x10;
	v6 =	vand.u32 $0xFFFF0000, v6;
	[tilespmem:v1+s28+$0x0] =	vst.idx.add.f32.msk $0xffff, v5;
	v1 =	vmovc v44  }
0xc3: {  	v5 =	vmul.f32 v9, v20;
	v9 =	vshll.u32 v7, $0x10;
	v7 =	vand.u32 $0xFFFF0000, v7;
	[tilespmem:v2+s28+$0x0] =	vst.idx.add.f32.msk $0xffff, v4;
	v2 =	vmovc v52;
	s28 =	smov.u32 s30  }
0xc4: {  	v4 =	vmul.f32 v22, v18;
	[tilespmem:v41+s28+$0x0] =	vst.idx.add.f32.msk $0xffff, v19;
	v19 =	vshll.u32 v8, $0x10;
	v8 =	vand.u32 $0xFFFF0000, v8  }
0xc5: {  	[tilespmem:v42+s28+$0x0] =	vst.idx.add.f32.msk $0xffff, v5;
	v5 =	vmul.f32 v6, v18;
	v6 =	vshll.u32 v10, $0x10;
	v10 =	vand.u32 $0xFFFF0000, v10  }
0xc6: {  	[tilespmem:v45+s28+$0x0] =	vst.idx.add.f32.msk $0xffff, v4;
	v4 =	vmul.f32 v9, v17;
	v9 =	vshll.u32 v11, $0x10;
	v11 =	vand.u32 $0xFFFF0000, v11  }
0xc7: {  	[tilespmem:v46+s28+$0x0] =	vst.idx.add.f32.msk $0xffff, v5;
	v5 =	vmul.f32 v7, v17;
	v7 =	vshll.u32 v12, $0x10;
	v12 =	vand.u32 $0xFFFF0000, v12  }
0xc8: {  	v8 =	vmul.f32 v8, v15;
	[tilespmem:v49+s28+$0x0] =	vst.idx.add.f32.msk $0xffff, v4;
	v4 =	vmul.f32 v19, v15  }
0xc9: {  	v6 =	vmul.f32 v6, v13;
	v10 =	vmul.f32 v10, v13;
	[tilespmem:v50+s28+$0x0] =	vst.idx.add.f32.msk $0xffff, v5  }
.Ltmp1:
0xca: {  	v13 =	vmul.f32 v9, v14;
	v9 =	vmul.f32 v11, v14;
	[tilespmem:v21+s28+$0x0] =	vst.idx.add.f32.msk $0xffff, v4;
	(pc) =	sbr.rel @p0 .LBB2_6-.Ltmp1, $4  }
0xcb: {  	v5 =	vmul.f32 v7, v16;
	v4 =	vmul.f32 v12, v16;
	[tilespmem:v38+s28+$0x0] =	vst.idx.add.f32.msk $0xffff, v8  }
0xcc: {  	[tilespmem:v29+s28+$0x0] =	vst.idx.add.f32.msk $0xffff, v6  }
0xcd: {  	[tilespmem:v51+s28+$0x0] =	vst.idx.add.f32.msk $0xffff, v10  }
0xce: {  	s29 =	sadd.s32 $0x80, s29;
	[tilespmem:v40+s28+$0x0] =	vst.idx.add.f32.msk $0xffff, v13  }
0xcf: {  	_ =	sdelay $0x3  }
0xd0: {  	[tilespmem:v3+s28+$0x0] =	vst.idx.add.f32.msk $0xffff, v9  }
0xd1: {  	[tilespmem:v1+s28+$0x0] =	vst.idx.add.f32.msk $0xffff, v5  }
0xd2: {  	[tilespmem:v2+s28+$0x0] =	vst.idx.add.f32.msk $0xffff, v4  }
.LBB2_8:
0xd3: {  	s17 =	sshra.s32 s30, $0x2  }
0xd4: {  	v1 =	vld [tilespmem:s17+$0xF480];
	_ =	sdelay $0x6  }
0xd5: {  	v2 =	vld [tilespmem:s17+$0x10480]  }
0xd6: {  	v3 =	vld.idx.msk [tilespmem:v1+s15+$0x0], $0xffff  }
0xd7: {  	v4 =	vld [tilespmem:s17+$0x11480];
	_ =	sdelay $0x2  }
0xd8: {  	v5 =	vadd.s32 $0x2780, v2  }
0xd9: {  	v1 =	vadd.s32 $0x2780, v1;
	v6 =	vshll.u32 v3, $0x10  }
0xda: {  	v3 =	vand.u32 $0xFFFF0000, v3;
	v6 =	vmul.f32 v6, v4  }
0xdb: {  	v3 =	vmul.f32 v3, v4  }
0xdc: {  	[tilespmem:v2+s3+$0x0] =	vst.idx.add.f32.msk $0xffff, v6  }
0xdd: {  	[tilespmem:v5+s3+$0x0] =	vst.idx.add.f32.msk $0xffff, v3  }
0xde: {  	v1 =	vld.idx.msk [tilespmem:v1+s15+$0x0], $0xffff;
	_ =	sdelay $0x2  }
0xdf: {  	v3 =	vadd.s32 $0x4F00, v2  }
0xe0: {  	p0 =	sne.s32 s30, $0x100;
	v2 =	vadd.s32 $0x7680, v2  }
.Ltmp2:
0xe1: {  	v63 =	vshll.u32 v1, $0x10;
	(pc) =	sbr.rel @p0 .LBB2_8-.Ltmp2, $4  }
0xe2: {  	v1 =	vand.u32 $0xFFFF0000, v1;
	v5 =	vmul.f32 v63, v4  }
0xe3: {  	v1 =	vmul.f32 v1, v4  }
0xe4: {  	[tilespmem:v3+s3+$0x0] =	vst.idx.add.f32.msk $0xffff, v5  }
0xe5: {  	s30 =	sadd.s32 $0x40, s30;
	[tilespmem:v2+s3+$0x0] =	vst.idx.add.f32.msk $0xffff, v1  }
0xe6: {  	p0 =	seq.s32 s0, $0x4F  }
0xe7: {  	s16 =	sshrl.u32 @!p0 s16, $0x3  }
0xe8: {  	s16 =	sadd.s32 @!p0 $0x1F4, s16  }
0xe9: {  	s18 =	simm.s32 @!p0 $0x0;
	s19 =	simm.s32 @!p0 $0xED00;
	s17 =	sadd.s32 @!p0 s4, s16  }
0xea: {  	[tilespmem:s19], [sflag:$0x2] =	stream.linear.gather @!p0 [hbm4b:s17+s18], $0x7D0, $0x38;
	[tilespmem:$0x11D00] =	vst v63  }
0xeb: {  	s17 =	sadd.s32 @!p0 s5, s16;
	s19 =	simm.s32 @!p0 $0xFD00  }
0xec: {  	[tilespmem:s19], [sflag:$0x2] =	stream.linear.gather @!p0 [hbm4b:s17+s18], $0x7D0, $0x38;
	[tilespmem:$0x11D00] =	vst v63  }
0xed: {  	s16 =	sadd.s32 @!p0 s2, s16;
	s17 =	simm.s32 @!p0 $0x10D00  }
0xee: {  	[tilespmem:s17], [sflag:$0x2] =	stream.linear.gather @!p0 [hbm4b:s16+s18], $0x7D0, $0x38;
	[tilespmem:$0x11D00] =	vst v63  }
0xef: {  	_ =	swait.ge [sflag:s25], $0x7D0  }
0xf0: {  	[sflag:s25] =	ssyncset.done $0x0  }
0xf1: {  	[sflag:s25] =	ssyncadd.s32 $0xFFFFF830  }
0xf2: {  	_ =	swait.ge [sflag:s25], $0x7D0  }
0xf3: {  	[sflag:s25] =	ssyncset.done $0x0  }
0xf4: {  	[sflag:s25] =	ssyncadd.s32 $0xFFFFF830  }
0xf5: {  	_ =	swait.ge [sflag:s25], $0x7D0  }
0xf6: {  	[sflag:s25] =	ssyncset.done $0x0  }
0xf7: {  	s30 =	simm.s32 $0xF540;
	[sflag:s25] =	ssyncadd.s32 $0xFFFFF830  }
0xf8: {  	v1 =	vld [tilespmem:s30+$0x0]  }
0xf9: {  	v2 =	vld [tilespmem:s30+$0xFFFFFFA0]  }
0xfa: {  	v3 =	vld [tilespmem:s30+$0xFFFFFFB0]  }
0xfb: {  	v4 =	vld [tilespmem:s30+$0xFFFFFFC0]  }
0xfc: {  	v5 =	vld [tilespmem:s30+$0xFFFFFFD0]  }
0xfd: {  	v6 =	vld [tilespmem:s30+$0xFFFFFFE0]  }
0xfe: {  	s17 =	simm.s32 $0x10540;
	v7 =	vld [tilespmem:s30+$0xFFFFFFF0]  }
0xff: {  	v8 =	vld [tilespmem:s17+$0x0]  }
0x100: {  	s18 =	simm.s32 $0x11540;
	v10 =	vld [tilespmem:s30+$0xFFFFFF90]  }
0x101: {  	v11 =	vld [tilespmem:s18+$0x0]  }
0x102: {  	v39 =	vld [tilespmem:s18+$0xFFFFFF90]  }
0x103: {  	v40 =	vld [tilespmem:s18+$0xFFFFFFA0]  }
0x104: {  	v20 =	vld [tilespmem:s18+$0xFFFFFFB0]  }
0x105: {  	v22 =	vld [tilespmem:s18+$0xFFFFFFC0]  }
0x106: {  	v23 =	vld [tilespmem:s18+$0xFFFFFFD0]  }
0x107: {  	v25 =	vld [tilespmem:s18+$0xFFFFFFE0]  }
0x108: {  	v9 =	vld.idx.msk [tilespmem:v1+s15+$0x0], $0xffff  }
0x109: {  	v26 =	vld [tilespmem:s18+$0xFFFFFFF0]  }
0x10a: {  	v41 =	vld [tilespmem:s17+$0xFFFFFFA0]  }
0x10b: {  	v27 =	vld [tilespmem:s17+$0xFFFFFFD0]  }
0x10c: {  	v30 =	vld [tilespmem:s17+$0xFFFFFFE0];
	v15 =	vadd.s32 $0x2780, v8  }
0x10d: {  	v32 =	vld [tilespmem:s17+$0xFFFFFFF0];
	v1 =	vadd.s32 $0x2780, v1;
	v17 =	vshll.u32 v9, $0x10  }
0x10e: {  	v12 =	vld.idx.msk [tilespmem:v2+s15+$0x0], $0xffff;
	v9 =	vand.u32 $0xFFFF0000, v9;
	v17 =	vmul.f32 v17, v11  }
0x10f: {  	s16 =	simm.s32 $0x0;
	v13 =	vld.idx.msk [tilespmem:v3+s15+$0x0], $0xffff;
	v9 =	vmul.f32 v9, v11  }
0x110: {  	[tilespmem:v8+s16+$0x0] =	vst.idx.add.f32.msk $0xffff, v17  }
0x111: {  	[tilespmem:v15+s16+$0x0] =	vst.idx.add.f32.msk $0xffff, v9  }
0x112: {  	v1 =	vld.idx.msk [tilespmem:v1+s15+$0x0], $0xffff  }
0x113: {  	v14 =	vld.idx.msk [tilespmem:v4+s15+$0x0], $0xffff  }
0x114: {  	v16 =	vld.idx.msk [tilespmem:v5+s15+$0x0], $0xffff;
	v29 =	vshll.u32 v12, $0x10  }
0x115: {  	v21 =	vadd.s32 $0x4F00, v8;
	v18 =	vld.idx.msk [tilespmem:v6+s15+$0x0], $0xffff;
	v29 =	vmul.f32 v29, v40  }
0x116: {  	v19 =	vld.idx.msk [tilespmem:v7+s15+$0x0], $0xffff;
	v8 =	vadd.s32 $0x7680, v8  }
0x117: {  	[tilespmem:v41+s16+$0x0] =	vst.idx.add.f32.msk $0xffff, v29;
	v24 =	vshll.u32 v1, $0x10  }
0x118: {  	v9 =	vld.idx.msk [tilespmem:v10+s15+$0x0], $0xffff;
	v1 =	vand.u32 $0xFFFF0000, v1;
	v24 =	vmul.f32 v24, v11  }
0x119: {  	v1 =	vmul.f32 v1, v11;
	v11 =	vld [tilespmem:s17+$0xFFFFFF90]  }
0x11a: {  	v47 =	vshll.u32 v16, $0x10;
	[tilespmem:v21+s16+$0x0] =	vst.idx.add.f32.msk $0xffff, v24  }
0x11b: {  	v31 =	vadd.s32 $0x2780, v41;
	v49 =	vmul.f32 v47, v23;
	[tilespmem:v8+s16+$0x0] =	vst.idx.add.f32.msk $0xffff, v1  }
0x11c: {  	v2 =	vadd.s32 $0x2780, v2;
	v52 =	vshll.u32 v19, $0x10;
	v1 =	vld [tilespmem:s17+$0xFFFFFFB0]  }
0x11d: {  	v12 =	vand.u32 $0xFFFF0000, v12;
	v54 =	vmul.f32 v52, v26;
	[tilespmem:v27+s16+$0x0] =	vst.idx.add.f32.msk $0xffff, v49  }
0x11e: {  	v12 =	vmul.f32 v12, v40;
	v8 =	vld [tilespmem:s17+$0xFFFFFFC0];
	v28 =	vadd.s32 $0x2780, v11  }
0x11f: {  	[tilespmem:v32+s16+$0x0] =	vst.idx.add.f32.msk $0xffff, v54;
	v42 =	vshll.u32 v9, $0x10  }
0x120: {  	[tilespmem:v31+s16+$0x0] =	vst.idx.add.f32.msk $0xffff, v12;
	v10 =	vadd.s32 $0x2780, v10;
	v9 =	vand.u32 $0xFFFF0000, v9;
	v24 =	vmul.f32 v42, v39  }
0x121: {  	v43 =	vshll.u32 v13, $0x10;
	v2 =	vld.idx.msk [tilespmem:v2+s15+$0x0], $0xffff;
	v9 =	vmul.f32 v9, v39;
	v33 =	vadd.s32 $0x2780, v1  }
0x122: {  	[tilespmem:v11+s16+$0x0] =	vst.idx.add.f32.msk $0xffff, v24;
	v24 =	vmul.f32 v43, v20  }
0x123: {  	v13 =	vand.u32 $0xFFFF0000, v13;
	v44 =	vadd.s32 $0x2780, v8;
	[tilespmem:v28+s16+$0x0] =	vst.idx.add.f32.msk $0xffff, v9  }
0x124: {  	v3 =	vadd.s32 $0x2780, v3;
	v13 =	vmul.f32 v13, v20;
	v9 =	vshll.u32 v14, $0x10;
	[tilespmem:v1+s16+$0x0] =	vst.idx.add.f32.msk $0xffff, v24  }
0x125: {  	v45 =	vand.u32 $0xFFFF0000, v14;
	v9 =	vmul.f32 v9, v22;
	v10 =	vld.idx.msk [tilespmem:v10+s15+$0x0], $0xffff  }
0x126: {  	v46 =	vadd.s32 $0x2780, v27;
	v12 =	vmul.f32 v45, v22;
	[tilespmem:v33+s16+$0x0] =	vst.idx.add.f32.msk $0xffff, v13  }
0x127: {  	v4 =	vadd.s32 $0x2780, v4;
	[tilespmem:v8+s16+$0x0] =	vst.idx.add.f32.msk $0xffff, v9;
	v9 =	vshll.u32 v18, $0x10  }
0x128: {  	v53 =	vadd.s32 $0x2780, v32;
	v48 =	vand.u32 $0xFFFF0000, v16;
	[tilespmem:v44+s16+$0x0] =	vst.idx.add.f32.msk $0xffff, v12;
	v9 =	vmul.f32 v9, v25  }
0x129: {  	v5 =	vadd.s32 $0x2780, v5;
	v13 =	vmul.f32 v48, v23;
	v3 =	vld.idx.msk [tilespmem:v3+s15+$0x0], $0xffff  }
0x12a: {  	v50 =	vadd.s32 $0x2780, v30;
	[tilespmem:v30+s16+$0x0] =	vst.idx.add.f32.msk $0xffff, v9;
	v9 =	vand.u32 $0xFFFF0000, v19  }
0x12b: {  	v6 =	vadd.s32 $0x2780, v6;
	[tilespmem:v46+s16+$0x0] =	vst.idx.add.f32.msk $0xffff, v13;
	v9 =	vmul.f32 v9, v26  }
0x12c: {  	v7 =	vadd.s32 $0x2780, v7;
	v51 =	vand.u32 $0xFFFF0000, v18;
	v4 =	vld.idx.msk [tilespmem:v4+s15+$0x0], $0xffff  }
0x12d: {  	v12 =	vmul.f32 v51, v25;
	[tilespmem:v53+s16+$0x0] =	vst.idx.add.f32.msk $0xffff, v9;
	v9 =	vadd.s32 $0x4F00, v11  }
0x12e: {  	v5 =	vld.idx.msk [tilespmem:v5+s15+$0x0], $0xffff;
	v11 =	vadd.s32 $0x7680, v11  }
0x12f: {  	v55 =	vadd.s32 $0x4F00, v41;
	v56 =	vshll.u32 v10, $0x10;
	[tilespmem:v50+s16+$0x0] =	vst.idx.add.f32.msk $0xffff, v12  }
0x130: {  	v57 =	vadd.s32 $0x7680, v41;
	v10 =	vand.u32 $0xFFFF0000, v10;
	v13 =	vmul.f32 v56, v39;
	v6 =	vld.idx.msk [tilespmem:v6+s15+$0x0], $0xffff  }
0x131: {  	v59 =	vshll.u32 v2, $0x10;
	v58 =	vadd.s32 $0x4F00, v1;
	v10 =	vmul.f32 v10, v39;
	v7 =	vld.idx.msk [tilespmem:v7+s15+$0x0], $0xffff  }
0x132: {  	v2 =	vand.u32 $0xFFFF0000, v2;
	v1 =	vadd.s32 $0x7680, v1;
	[tilespmem:v9+s16+$0x0] =	vst.idx.add.f32.msk $0xffff, v13;
	v9 =	vmul.f32 v59, v40  }
0x133: {  	v2 =	vmul.f32 v2, v40;
	v60 =	vadd.s32 $0x4F00, v8;
	v61 =	vshll.u32 v3, $0x10;
	[tilespmem:v11+s16+$0x0] =	vst.idx.add.f32.msk $0xffff, v10  }
0x134: {  	v8 =	vadd.s32 $0x7680, v8;
	v3 =	vand.u32 $0xFFFF0000, v3;
	[tilespmem:v55+s16+$0x0] =	vst.idx.add.f32.msk $0xffff, v9;
	v9 =	vmul.f32 v61, v20  }
0x135: {  	v10 =	vadd.s32 $0x4F00, v27;
	v11 =	vshll.u32 v4, $0x10;
	[tilespmem:v57+s16+$0x0] =	vst.idx.add.f32.msk $0xffff, v2;
	v2 =	vmul.f32 v3, v20  }
0x136: {  	v62 =	vadd.s32 $0x7680, v27;
	v3 =	vand.u32 $0xFFFF0000, v4;
	v4 =	vmul.f32 v11, v22;
	[tilespmem:v58+s16+$0x0] =	vst.idx.add.f32.msk $0xffff, v9  }
0x137: {  	v11 =	vadd.s32 $0x4F00, v30;
	v9 =	vshll.u32 v5, $0x10;
	v63 =	vmul.f32 v3, v22;
	[tilespmem:v1+s16+$0x0] =	vst.idx.add.f32.msk $0xffff, v2  }
0x138: {  	v1 =	vand.u32 $0xFFFF0000, v5;
	v2 =	vmul.f32 v9, v23;
	[tilespmem:v60+s16+$0x0] =	vst.idx.add.f32.msk $0xffff, v4  }
0x139: {  	v3 =	vadd.s32 $0x7680, v30;
	v4 =	vshll.u32 v6, $0x10;
	v5 =	vmul.f32 v1, v23;
	[tilespmem:v8+s16+$0x0] =	vst.idx.add.f32.msk $0xffff, v63  }
0x13a: {  	v6 =	vand.u32 $0xFFFF0000, v6;
	v1 =	vadd.s32 $0x4F00, v32;
	v8 =	vmul.f32 v4, v25;
	[tilespmem:v10+s16+$0x0] =	vst.idx.add.f32.msk $0xffff, v2  }
0x13b: {  	s0 =	sadd.s32 $0x1, s0;
	v4 =	vshll.u32 v7, $0x10;
	v7 =	vand.u32 $0xFFFF0000, v7;
	v9 =	vmul.f32 v6, v25;
	[tilespmem:v62+s16+$0x0] =	vst.idx.add.f32.msk $0xffff, v5  }
0x13c: {  	s29 =	simm.s32 $0xF5C0;
	s28 =	simm.s32 $0x0;
	s19 =	simm.s32 $0x0;
	v2 =	vadd.s32 $0x7680, v32;
	v5 =	vmul.f32 v4, v26;
	v4 =	vmul.f32 v7, v26;
	[tilespmem:v11+s16+$0x0] =	vst.idx.add.f32.msk $0xffff, v8  }
.LBB2_10:
0x13d: {  	v13 =	vld [tilespmem:s29+$0x0]  }
0x13e: {  	v12 =	vld [tilespmem:s29+$0xFFFFFFA0]  }
0x13f: {  	s19 =	sadd.s32 $0x8, s19;
	v14 =	vld [tilespmem:s29+$0xFFFFFFB0]  }
0x140: {  	p0 =	slt.u32 s19, $0x70;
	v15 =	vld [tilespmem:s29+$0xFFFFFFC0]  }
0x141: {  	v16 =	vld [tilespmem:s29+$0xFFFFFFD0]  }
0x142: {  	v17 =	vld [tilespmem:s29+$0xFFFFFFE0]  }
0x143: {  	s17 =	sadd.s32 $0x80, s17;
	v6 =	vadd.s32 $0x2780, v12;
	v18 =	vld [tilespmem:s29+$0xFFFFFFF0]  }
0x144: {  	v7 =	vadd.s32 $0x2780, v14;
	v21 =	vld [tilespmem:s17+$0x0]  }
0x145: {  	v8 =	vadd.s32 $0x2780, v15;
	v20 =	vld.idx.msk [tilespmem:v13+s15+$0x0], $0xffff  }
0x146: {  	s18 =	sadd.s32 $0x80, s18;
	v22 =	vld [tilespmem:s29+$0xFFFFFF90];
	v10 =	vadd.s32 $0x2780, v16  }
0x147: {  	v11 =	vadd.s32 $0x2780, v17;
	v23 =	vld [tilespmem:s18+$0x0]  }
0x148: {  	v24 =	vld.idx.msk [tilespmem:v12+s15+$0x0], $0xffff;
	v12 =	vadd.s32 $0x2780, v18  }
0x149: {  	v14 =	vld.idx.msk [tilespmem:v14+s15+$0x0], $0xffff  }
0x14a: {  	v25 =	vadd.s32 $0x2780, v21;
	v15 =	vld.idx.msk [tilespmem:v15+s15+$0x0], $0xffff  }
0x14b: {  	v13 =	vadd.s32 $0x2780, v13;
	v26 =	vshll.u32 v20, $0x10;
	v19 =	vadd.s32 $0x2780, v22;
	v16 =	vld.idx.msk [tilespmem:v16+s15+$0x0], $0xffff  }
0x14c: {  	v20 =	vand.u32 $0xFFFF0000, v20;
	v17 =	vld.idx.msk [tilespmem:v17+s15+$0x0], $0xffff;
	v26 =	vmul.f32 v26, v23  }
0x14d: {  	v27 =	vld.idx.msk [tilespmem:v18+s15+$0x0], $0xffff;
	v18 =	vmul.f32 v20, v23  }
0x14e: {  	v28 =	vshll.u32 v24, $0x10;
	v24 =	vand.u32 $0xFFFF0000, v24;
	[tilespmem:v21+s16+$0x0] =	vst.idx.add.f32.msk $0xffff, v26  }
0x14f: {  	v26 =	vshll.u32 v14, $0x10;
	v29 =	vand.u32 $0xFFFF0000, v14;
	[tilespmem:v25+s16+$0x0] =	vst.idx.add.f32.msk $0xffff, v18  }
0x150: {  	v25 =	vshll.u32 v15, $0x10;
	v30 =	vand.u32 $0xFFFF0000, v15;
	v31 =	vld.idx.msk [tilespmem:v13+s15+$0x0], $0xffff  }
0x151: {  	v32 =	vshll.u32 v16, $0x10;
	v33 =	vand.u32 $0xFFFF0000, v16;
	v22 =	vld.idx.msk [tilespmem:v22+s15+$0x0], $0xffff  }
0x152: {  	v34 =	vshll.u32 v17, $0x10;
	v35 =	vand.u32 $0xFFFF0000, v17;
	v20 =	vld [tilespmem:s18+$0xFFFFFF90]  }
0x153: {  	v36 =	vshll.u32 v27, $0x10;
	v27 =	vand.u32 $0xFFFF0000, v27;
	v18 =	vld [tilespmem:s18+$0xFFFFFFA0]  }
0x154: {  	v37 =	vadd.s32 $0x4F00, v21;
	v17 =	vld [tilespmem:s18+$0xFFFFFFB0]  }
0x155: {  	v21 =	vadd.s32 $0x7680, v21;
	v15 =	vld [tilespmem:s18+$0xFFFFFFC0]  }
0x156: {  	v16 =	vshll.u32 v31, $0x10;
	v13 =	vld [tilespmem:s18+$0xFFFFFFD0]  }
0x157: {  	v31 =	vand.u32 $0xFFFF0000, v31;
	v38 =	vshll.u32 v22, $0x10;
	v39 =	vmul.f32 v16, v23;
	v14 =	vld [tilespmem:s18+$0xFFFFFFE0]  }
0x158: {  	v22 =	vand.u32 $0xFFFF0000, v22;
	v23 =	vmul.f32 v31, v23;
	v38 =	vmul.f32 v38, v20;
	v16 =	vld [tilespmem:s18+$0xFFFFFFF0]  }
0x159: {  	v22 =	vmul.f32 v22, v20;
	v28 =	vmul.f32 v28, v18;
	[tilespmem:v37+s16+$0x0] =	vst.idx.add.f32.msk $0xffff, v39  }
0x15a: {  	v24 =	vmul.f32 v24, v18;
	v26 =	vmul.f32 v26, v17;
	[tilespmem:v21+s16+$0x0] =	vst.idx.add.f32.msk $0xffff, v23  }
0x15b: {  	v23 =	vmul.f32 v29, v17;
	v25 =	vmul.f32 v25, v15;
	v21 =	vld [tilespmem:s17+$0xFFFFFF90]  }
0x15c: {  	v30 =	vmul.f32 v30, v15;
	v31 =	vmul.f32 v32, v13;
	v29 =	vld [tilespmem:s17+$0xFFFFFFA0]  }
0x15d: {  	v33 =	vmul.f32 v33, v13;
	v34 =	vmul.f32 v34, v14;
	v32 =	vld [tilespmem:s17+$0xFFFFFFB0]  }
0x15e: {  	v35 =	vmul.f32 v35, v14;
	v36 =	vmul.f32 v36, v16;
	v37 =	vld [tilespmem:s17+$0xFFFFFFC0]  }
0x15f: {  	v27 =	vmul.f32 v27, v16;
	v39 =	vld [tilespmem:s17+$0xFFFFFFD0]  }
0x160: {  	v40 =	vadd.s32 $0x2780, v21;
	v41 =	vadd.s32 $0x4F00, v21;
	v42 =	vadd.s32 $0x7680, v21;
	v43 =	vld [tilespmem:s17+$0xFFFFFFE0]  }
0x161: {  	v44 =	vadd.s32 $0x2780, v29;
	v45 =	vadd.s32 $0x4F00, v29;
	v46 =	vadd.s32 $0x7680, v29;
	v47 =	vld [tilespmem:s17+$0xFFFFFFF0]  }
0x162: {  	v48 =	vadd.s32 $0x2780, v32;
	v49 =	vadd.s32 $0x4F00, v32;
	v50 =	vadd.s32 $0x7680, v32;
	[tilespmem:v3+s28+$0x0] =	vst.idx.add.f32.msk $0xffff, v9  }
0x163: {  	[tilespmem:v21+s16+$0x0] =	vst.idx.add.f32.msk $0xffff, v38;
	v9 =	vadd.s32 $0x2780, v37;
	v21 =	vadd.s32 $0x4F00, v37;
	v38 =	vadd.s32 $0x7680, v37  }
0x164: {  	[tilespmem:v29+s16+$0x0] =	vst.idx.add.f32.msk $0xffff, v28;
	v28 =	vadd.s32 $0x2780, v39;
	v29 =	vadd.s32 $0x4F00, v39;
	v51 =	vadd.s32 $0x7680, v39  }
0x165: {  	[tilespmem:v40+s16+$0x0] =	vst.idx.add.f32.msk $0xffff, v22;
	v22 =	vadd.s32 $0x2780, v43;
	v40 =	vadd.s32 $0x4F00, v43;
	v3 =	vadd.s32 $0x7680, v43  }
0x166: {  	[tilespmem:v44+s16+$0x0] =	vst.idx.add.f32.msk $0xffff, v24;
	v24 =	vadd.s32 $0x2780, v47;
	v44 =	vadd.s32 $0x4F00, v47;
	v52 =	vadd.s32 $0x7680, v47  }
0x167: {  	[tilespmem:v32+s16+$0x0] =	vst.idx.add.f32.msk $0xffff, v26  }
0x168: {  	[tilespmem:v48+s16+$0x0] =	vst.idx.add.f32.msk $0xffff, v23  }
0x169: {  	[tilespmem:v37+s16+$0x0] =	vst.idx.add.f32.msk $0xffff, v25  }
0x16a: {  	[tilespmem:v9+s16+$0x0] =	vst.idx.add.f32.msk $0xffff, v30  }
0x16b: {  	[tilespmem:v39+s16+$0x0] =	vst.idx.add.f32.msk $0xffff, v31  }
0x16c: {  	[tilespmem:v28+s16+$0x0] =	vst.idx.add.f32.msk $0xffff, v33  }
0x16d: {  	[tilespmem:v43+s16+$0x0] =	vst.idx.add.f32.msk $0xffff, v34  }
0x16e: {  	[tilespmem:v22+s16+$0x0] =	vst.idx.add.f32.msk $0xffff, v35  }
0x16f: {  	[tilespmem:v47+s16+$0x0] =	vst.idx.add.f32.msk $0xffff, v36  }
0x170: {  	[tilespmem:v24+s16+$0x0] =	vst.idx.add.f32.msk $0xffff, v27  }
0x171: {  	v9 =	vld.idx.msk [tilespmem:v19+s15+$0x0], $0xffff  }
0x172: {  	v6 =	vld.idx.msk [tilespmem:v6+s15+$0x0], $0xffff  }
0x173: {  	v7 =	vld.idx.msk [tilespmem:v7+s15+$0x0], $0xffff  }
0x174: {  	v8 =	vld.idx.msk [tilespmem:v8+s15+$0x0], $0xffff  }
0x175: {  	v10 =	vld.idx.msk [tilespmem:v10+s15+$0x0], $0xffff  }
0x176: {  	v11 =	vld.idx.msk [tilespmem:v11+s15+$0x0], $0xffff  }
0x177: {  	v19 =	vshll.u32 v9, $0x10;
	v9 =	vand.u32 $0xFFFF0000, v9;
	v12 =	vld.idx.msk [tilespmem:v12+s15+$0x0], $0xffff  }
0x178: {  	v19 =	vmul.f32 v19, v20;
	v22 =	vshll.u32 v6, $0x10;
	v6 =	vand.u32 $0xFFFF0000, v6;
	[tilespmem:v1+s28+$0x0] =	vst.idx.add.f32.msk $0xffff, v5;
	v1 =	vmovc v44  }
0x179: {  	v5 =	vmul.f32 v9, v20;
	v9 =	vshll.u32 v7, $0x10;
	v7 =	vand.u32 $0xFFFF0000, v7;
	[tilespmem:v2+s28+$0x0] =	vst.idx.add.f32.msk $0xffff, v4;
	v2 =	vmovc v52;
	s28 =	smov.u32 s16  }
0x17a: {  	v4 =	vmul.f32 v22, v18;
	[tilespmem:v41+s28+$0x0] =	vst.idx.add.f32.msk $0xffff, v19;
	v19 =	vshll.u32 v8, $0x10;
	v8 =	vand.u32 $0xFFFF0000, v8  }
0x17b: {  	[tilespmem:v42+s28+$0x0] =	vst.idx.add.f32.msk $0xffff, v5;
	v5 =	vmul.f32 v6, v18;
	v6 =	vshll.u32 v10, $0x10;
	v10 =	vand.u32 $0xFFFF0000, v10  }
0x17c: {  	[tilespmem:v45+s28+$0x0] =	vst.idx.add.f32.msk $0xffff, v4;
	v4 =	vmul.f32 v9, v17;
	v9 =	vshll.u32 v11, $0x10;
	v11 =	vand.u32 $0xFFFF0000, v11  }
0x17d: {  	[tilespmem:v46+s28+$0x0] =	vst.idx.add.f32.msk $0xffff, v5;
	v5 =	vmul.f32 v7, v17;
	v7 =	vshll.u32 v12, $0x10;
	v12 =	vand.u32 $0xFFFF0000, v12  }
0x17e: {  	v8 =	vmul.f32 v8, v15;
	[tilespmem:v49+s28+$0x0] =	vst.idx.add.f32.msk $0xffff, v4;
	v4 =	vmul.f32 v19, v15  }
0x17f: {  	v6 =	vmul.f32 v6, v13;
	v10 =	vmul.f32 v10, v13;
	[tilespmem:v50+s28+$0x0] =	vst.idx.add.f32.msk $0xffff, v5  }
.Ltmp3:
0x180: {  	v13 =	vmul.f32 v9, v14;
	v9 =	vmul.f32 v11, v14;
	[tilespmem:v21+s28+$0x0] =	vst.idx.add.f32.msk $0xffff, v4;
	(pc) =	sbr.rel @p0 .LBB2_10-.Ltmp3, $4  }
0x181: {  	v5 =	vmul.f32 v7, v16;
	v4 =	vmul.f32 v12, v16;
	[tilespmem:v38+s28+$0x0] =	vst.idx.add.f32.msk $0xffff, v8  }
0x182: {  	[tilespmem:v29+s28+$0x0] =	vst.idx.add.f32.msk $0xffff, v6  }
0x183: {  	[tilespmem:v51+s28+$0x0] =	vst.idx.add.f32.msk $0xffff, v10  }
0x184: {  	s29 =	sadd.s32 $0x80, s29;
	[tilespmem:v40+s28+$0x0] =	vst.idx.add.f32.msk $0xffff, v13  }
0x185: {  	_ =	sdelay $0x3  }
0x186: {  	[tilespmem:v3+s28+$0x0] =	vst.idx.add.f32.msk $0xffff, v9  }
0x187: {  	[tilespmem:v1+s28+$0x0] =	vst.idx.add.f32.msk $0xffff, v5  }
0x188: {  	[tilespmem:v2+s28+$0x0] =	vst.idx.add.f32.msk $0xffff, v4  }
.LBB2_12:
0x189: {  	s17 =	sshra.s32 s16, $0x2  }
0x18a: {  	v1 =	vld [tilespmem:s17+$0xFC50];
	_ =	sdelay $0x6  }
0x18b: {  	v2 =	vld [tilespmem:s17+$0x10C50]  }
0x18c: {  	v3 =	vld.idx.msk [tilespmem:v1+s15+$0x0], $0xffff  }
0x18d: {  	v4 =	vld [tilespmem:s17+$0x11C50];
	_ =	sdelay $0x2  }
0x18e: {  	v5 =	vadd.s32 $0x2780, v2  }
0x18f: {  	v1 =	vadd.s32 $0x2780, v1;
	v6 =	vshll.u32 v3, $0x10  }
0x190: {  	v3 =	vand.u32 $0xFFFF0000, v3;
	v6 =	vmul.f32 v6, v4  }
0x191: {  	v3 =	vmul.f32 v3, v4  }
0x192: {  	[tilespmem:v2+s3+$0x0] =	vst.idx.add.f32.msk $0xffff, v6  }
0x193: {  	[tilespmem:v5+s3+$0x0] =	vst.idx.add.f32.msk $0xffff, v3  }
0x194: {  	v1 =	vld.idx.msk [tilespmem:v1+s15+$0x0], $0xffff;
	_ =	sdelay $0x2  }
0x195: {  	v3 =	vadd.s32 $0x4F00, v2  }
0x196: {  	p0 =	seq.s32 s16, $0x100;
	v2 =	vadd.s32 $0x7680, v2  }
.Ltmp4:
0x197: {  	v63 =	vshll.u32 v1, $0x10;
	(pc) =	sbr.rel @!p0 .LBB2_12-.Ltmp4, $4  }
0x198: {  	v1 =	vand.u32 $0xFFFF0000, v1;
	v5 =	vmul.f32 v63, v4  }
0x199: {  	v1 =	vmul.f32 v1, v4  }
0x19a: {  	[tilespmem:v3+s3+$0x0] =	vst.idx.add.f32.msk $0xffff, v5  }
0x19b: {  	s16 =	sadd.s32 $0x40, s16;
	[tilespmem:v2+s3+$0x0] =	vst.idx.add.f32.msk $0xffff, v1  }
0x19c: {  	p0 =	seq.s32 s0, $0x50  }
.Ltmp5:
0x19d: {  	_ = 	snop;
	(pc) =	sbr.rel @!p0 .LBB2_5-.Ltmp5, $1  }
0x19e: {  	_ =	sdelay $0x3  }
0x19f: {  	[hbm4b:s8+s13] =	stream.strided.scatter [tilespmem:s3], [sflag:$0x4], $0x2780, s14, s13, $0x38;
	[tilespmem:$0x11D00] =	vst v63  }
0x1a0: {  	_ =	swait.ge [sflag:s26], $0x2780  }
0x1a1: {  	[sflag:s26] =	ssyncset.done $0x0  }
0x1a2: {  	s0 =	simm.s32 $0x2780;
	[sflag:s26] =	ssyncadd.s32 $0xFFFFD880  }
0x1a3: {  	[hbm4b:s9+s13] =	stream.strided.scatter [tilespmem:s0], [sflag:$0x4], $0x2780, s14, s13, $0x38;
	[tilespmem:$0x11D00] =	vst v63  }
0x1a4: {  	_ =	swait.ge [sflag:s26], $0x2780  }
0x1a5: {  	[sflag:s26] =	ssyncset.done $0x0  }
0x1a6: {  	s29 =	simm.s32 $0x4F00;
	[sflag:s26] =	ssyncadd.s32 $0xFFFFD880  }
0x1a7: {  	[hbm4b:s10+s13] =	stream.strided.scatter [tilespmem:s29], [sflag:$0x4], $0x2780, s14, s13, $0x38;
	[tilespmem:$0x11D00] =	vst v63  }
0x1a8: {  	s31 =	sadd.s32 $0x1, s31;
	_ =	swait.ge [sflag:s26], $0x2780  }
0x1a9: {  	p0 =	sne.s32 s31, s12;
	[sflag:s26] =	ssyncset.done $0x0  }
.Ltmp6:
0x1aa: {  	s30 =	simm.s32 $0x7680;
	[sflag:s26] =	ssyncadd.s32 $0xFFFFD880;
	(pc) =	sbr.rel @p0 .LBB2_1-.Ltmp6, $4  }
0x1ab: {  	[hbm4b:s11+s13] =	stream.strided.scatter [tilespmem:s30], [sflag:$0x4], $0x2780, s14, s13, $0x38;
	[tilespmem:$0x11D00] =	vst v63  }
0x1ac: {  	_ =	swait.ge [sflag:s26], $0x2780  }
0x1ad: {  	[sflag:s26] =	ssyncset.done $0x0  }
0x1ae: {  	[sflag:s26] =	ssyncadd.s32 $0xFFFFD880  }
0x1af: {  	_ =	sfence.sel $0x180000  }
0x1b0: {  	[bflag:$0x0] =	sbarrier.arrive $0xFFFF  }
0x1b1: {  	_ =	strace $0x90000047  }
0x1b2: {  	s0 =	stileid.u32;
	[bflag:$0x2] =	sbarrier.arrive $0xFFFF  }
0x1b3: {  	p0 =	sne.s32 s0, $0x0;
	s0 =	rddreg [dreg:$0x2]  }
0x1b4: {  	s0 =	sadd.s32 @!p0 $0x100000, s0  }
0x1b5: {  	[sflag:s0] =	ssyncadd.tile.s32 @!p0 $0x1;
	_ =	shalt  }
.Lfunc_end2:
_tile_overlayer_lowered:
.L_overlay_start_2:
0x1b6: {  	(tag) =	ssettag $0x2  }
0x1b7: {  	s0 =	rddreg [dreg:$0x0];
	s2 =	stileid.u32  }
0x1b8: {  	s1 =	rddreg [dreg:$0x1];
	p0 =	sne.s32 s2, $0x0  }
0x1b9: {  	s3 =	rddreg [dreg:$0x2];
	[bflag:$0x3] =	sbarrier.arrive $0xFFFF;
	s2 =	simm.s32 @!p0 $0x1C04  }
0x1ba: {  	[timem:s3], [sflag:s2] =	dma.local @!p0 [hbm:s0], s1  }
0x1bb: {  	s0 =	simm.s32 @!p0 $0x4  }
0x1bc: {  	_ =	swait.ge @!p0 [sflag:s0], s1  }
0x1bd: {  	s1 =	ssub.s32 @!p0 $0x0, s1;
	[sflag:s0] =	ssyncset.done @!p0 $0x0  }
0x1be: {  	[sflag:s0] =	ssyncadd.s32 @!p0 s1  }
0x1bf: {  	[bflag:$0x3] =	sbarrier.arrive $0xFFFF  }
0x1c0: {  	_ =	shalt  }

</sc_bundles>
